<compile_context>
chip_gen: v7x
topology: tpu7x:2x2x1
jax: 0.10.2.dev20260603
libtpu: 0.0.44.dev20260713+nightly
codegen_flags: <defaults>
</compile_context>

<pallas_src>
import functools

import jax
import jax.numpy as jnp
from jax.experimental import pallas as pl
from jax.experimental.pallas import tpu as pltpu
from jax.experimental.pallas import tpu_sc as plsc

B, S, D, H, E, K, F = 1, 2048, 768, 12, 8, 2, 768
DH = D // H
NEG = -1e30
TILE = 256
NT = 24
NROWS = NT * TILE
NA = S * K


def _dot(a, b):
    return jnp.dot(a, b, preferred_element_type=jnp.float32)


def _rmsnorm(x, w, eps=1e-6):
    return x * jax.lax.rsqrt(jnp.mean(x * x, axis=-1, keepdims=True) + eps) * w


def _embed_qkv_body(c_ref, win_ref, bin_ref, ln1_ref, wq_ref, wk_ref, wv_ref,
                    x_ref, q_ref, k_ref, v_ref):
    x = c_ref[...] * win_ref[...] + bin_ref[...]
    x_ref[...] = x
    h = _rmsnorm(x, ln1_ref[...]).astype(jnp.bfloat16)
    q_ref[...] = _dot(h, wq_ref[...]).astype(jnp.bfloat16)
    k_ref[...] = _dot(h, wk_ref[...]).astype(jnp.bfloat16)
    v_ref[...] = _dot(h, wv_ref[...]).astype(jnp.bfloat16)


def _embed_qkv(c_col, W_in, b_in, ln1, Wq, Wk, Wv, bs=512):
    nb = S // bs
    return pl.pallas_call(
        _embed_qkv_body,
        grid=(nb,),
        in_specs=[
            pl.BlockSpec((bs, 1), lambda i: (i, 0)),
            pl.BlockSpec((1, D), lambda i: (0, 0)),
            pl.BlockSpec((1, D), lambda i: (0, 0)),
            pl.BlockSpec((1, D), lambda i: (0, 0)),
            pl.BlockSpec((D, D), lambda i: (0, 0)),
            pl.BlockSpec((D, D), lambda i: (0, 0)),
            pl.BlockSpec((D, D), lambda i: (0, 0)),
        ],
        out_specs=[
            pl.BlockSpec((bs, D), lambda i: (i, 0)),
            pl.BlockSpec((bs, D), lambda i: (i, 0)),
            pl.BlockSpec((bs, D), lambda i: (i, 0)),
            pl.BlockSpec((bs, D), lambda i: (i, 0)),
        ],
        out_shape=[
            jax.ShapeDtypeStruct((S, D), jnp.float32),
            jax.ShapeDtypeStruct((S, D), jnp.bfloat16),
            jax.ShapeDtypeStruct((S, D), jnp.bfloat16),
            jax.ShapeDtypeStruct((S, D), jnp.bfloat16),
        ],
    )(c_col, W_in, b_in.reshape(1, D), ln1.reshape(1, D), Wq, Wk, Wv)


def _flash_body(q_ref, k_ref, v_ref, o_ref, *, bq, bk):
    i = pl.program_id(1)
    q = q_ref[0] * jnp.bfloat16(1.0 / (DH ** 0.5))
    rows = i * bq + jax.lax.broadcasted_iota(jnp.int32, (bq, bk), 0)

    def step(j, carry):
        m, l, acc = carry
        kb = k_ref[0, pl.ds(j * bk, bk), :]
        vb = v_ref[0, pl.ds(j * bk, bk), :]
        s = jax.lax.dot_general(q, kb, (((1,), (1,)), ((), ())),
                                preferred_element_type=jnp.float32)
        cols = j * bk + jax.lax.broadcasted_iota(jnp.int32, (bq, bk), 1)
        s = jnp.where(cols <= rows, s, NEG)
        m_new = jnp.maximum(m, jnp.max(s, axis=-1, keepdims=True))
        p = jnp.exp(s - m_new)
        corr = jnp.exp(m - m_new)
        l = l * corr + jnp.sum(p, axis=-1, keepdims=True)
        acc = acc * corr + _dot(p.astype(jnp.bfloat16), vb)
        return m_new, l, acc

    m0 = jnp.full((bq, 1), NEG, jnp.float32)
    l0 = jnp.zeros((bq, 1), jnp.float32)
    a0 = jnp.zeros((bq, DH), jnp.float32)
    m, l, acc = jax.lax.fori_loop(0, i + 1, step, (m0, l0, a0))
    o_ref[0] = (acc / l).astype(jnp.bfloat16)


def _flash_attn(q, k, v, bq=512, bk=512):
    nq = S // bq
    body = functools.partial(_flash_body, bq=bq, bk=bk)
    return pl.pallas_call(
        body,
        grid=(H, nq),
        in_specs=[
            pl.BlockSpec((1, bq, DH), lambda h, i: (h, i, 0)),
            pl.BlockSpec((1, S, DH), lambda h, i: (h, 0, 0)),
            pl.BlockSpec((1, S, DH), lambda h, i: (h, 0, 0)),
        ],
        out_specs=pl.BlockSpec((1, bq, DH), lambda h, i: (h, i, 0)),
        out_shape=jax.ShapeDtypeStruct((H, S, DH), jnp.bfloat16),
    )(q, k, v)


def _post_router_body(x_ref, o_ref, wo_ref, ln2_ref, wr_ref,
                      x2_ref, h2_ref, g_ref, p_ref):
    x2 = x_ref[...] + _dot(o_ref[...], wo_ref[...])
    x2_ref[...] = x2
    h2 = _rmsnorm(x2, ln2_ref[...])
    h2_ref[...] = h2.astype(jnp.bfloat16)
    logits = _dot(h2, wr_ref[...])
    lane = jax.lax.broadcasted_iota(jnp.int32, logits.shape, 1)
    rl = jnp.where(lane < E, logits, NEG)
    mx = jnp.max(rl, axis=-1, keepdims=True)
    ex = jnp.exp(rl - mx)
    probs = ex / jnp.sum(ex, axis=-1, keepdims=True)
    p_ref[...] = probs
    v1 = jnp.max(probs, axis=-1, keepdims=True)
    i1 = jnp.min(jnp.where((probs == v1) & (lane < E), lane, 128),
                 axis=-1, keepdims=True)
    probs2 = jnp.where((lane == i1) | (lane >= E), NEG, probs)
    v2 = jnp.max(probs2, axis=-1, keepdims=True)
    i2 = jnp.min(jnp.where((probs2 == v2) & (lane < E), lane, 128),
                 axis=-1, keepdims=True)
    tot = v1 + v2
    gates = (jnp.where(lane == i1, v1 / tot, 0.0)
             + jnp.where(lane == i2, v2 / tot, 0.0))
    sg = jax.nn.sigmoid(logits[:, E:E + 1])
    g_ref[...] = gates + jnp.where(lane == E, sg, 0.0)


def _post_router(x, o, Wo, ln2, Wrcat, bs=512):
    nb = S // bs
    return pl.pallas_call(
        _post_router_body,
        grid=(nb,),
        in_specs=[
            pl.BlockSpec((bs, D), lambda i: (i, 0)),
            pl.BlockSpec((bs, D), lambda i: (i, 0)),
            pl.BlockSpec((D, D), lambda i: (0, 0)),
            pl.BlockSpec((1, D), lambda i: (0, 0)),
            pl.BlockSpec((D, 128), lambda i: (0, 0)),
        ],
        out_specs=[
            pl.BlockSpec((bs, D), lambda i: (i, 0)),
            pl.BlockSpec((bs, D), lambda i: (i, 0)),
            pl.BlockSpec((bs, 128), lambda i: (i, 0)),
            pl.BlockSpec((bs, 128), lambda i: (i, 0)),
        ],
        out_shape=[
            jax.ShapeDtypeStruct((S, D), jnp.float32),
            jax.ShapeDtypeStruct((S, D), jnp.bfloat16),
            jax.ShapeDtypeStruct((S, 128), jnp.float32),
            jax.ShapeDtypeStruct((S, 128), jnp.float32),
        ],
    )(x, o, Wo, ln2.reshape(1, D), Wrcat)


_BSR = 256
_NBR = S // _BSR


def _route_body(g_ref, posw_ref, te_ref, R_ref, carry_ref, seg_ref):
    j = pl.program_id(0)
    g = g_ref[...]
    lane = jax.lax.broadcasted_iota(jnp.int32, (_BSR, 128), 1)

    @pl.when(j == 0)
    def _():
        carry_ref[...] = jnp.zeros_like(carry_ref)

    @pl.when(j < _NBR)
    def _():
        A = ((g > 0) & (lane < E)).astype(jnp.float32)
        ri = jax.lax.broadcasted_iota(jnp.int32, (_BSR, _BSR), 0)
        ci = jax.lax.broadcasted_iota(jnp.int32, (_BSR, _BSR), 1)
        Ls = (ri > ci).astype(jnp.float32)
        R_ref[pl.ds(j * _BSR, _BSR), :] = _dot(Ls, A) + carry_ref[...]
        carry_ref[...] += jnp.sum(A, axis=0, keepdims=True)

    @pl.when(j == _NBR)
    def _():
        cnt = carry_ref[...]
        padded = jnp.floor((cnt + (TILE - 1)) * (1.0 / TILE)) * TILE
        r2 = jax.lax.broadcasted_iota(jnp.int32, (128, 128), 0)
        c2 = jax.lax.broadcasted_iota(jnp.int32, (128, 128), 1)
        seg_ref[...] = _dot(padded, (r2 < c2).astype(jnp.float32))
        lane1 = jax.lax.broadcasted_iota(jnp.int32, (1, 128), 1)
        end = seg_ref[...] + padded
        te = jnp.zeros((1, 128), jnp.float32)
        for e in range(E):
            end_e = jnp.sum(jnp.where(lane1 == e, end, 0.0), axis=1,
                            keepdims=True)
            te += (lane1.astype(jnp.float32) * TILE >= end_e).astype(
                jnp.float32)
        n_used = jnp.sum(padded, axis=1, keepdims=True) * (1.0 / TILE)
        te = jnp.minimum(te, float(E - 1))
        te_ref[...] = jnp.where(lane1 == NT, n_used, te).astype(jnp.int32)

    @pl.when(j >= _NBR)
    def _():
        jb = j - _NBR
        gr = jnp.where(lane < E, g, -1.0)
        v1 = jnp.max(gr, axis=-1, keepdims=True)
        i1 = jnp.min(jnp.where(gr == v1, lane, 128), axis=-1, keepdims=True)
        gr2 = jnp.where(lane == i1, -1.0, gr)
        v2 = jnp.max(gr2, axis=-1, keepdims=True)
        i2 = jnp.min(jnp.where(gr2 == v2, lane, 128), axis=-1, keepdims=True)
        Rblk = R_ref[pl.ds(jb * _BSR, _BSR), :]
        pos_e = seg_ref[...] + Rblk
        p0 = jnp.sum(jnp.where(lane == i1, pos_e, 0.0), axis=-1,
                     keepdims=True)
        p1 = jnp.sum(jnp.where(lane == i2, pos_e, 0.0), axis=-1,
                     keepdims=True)
        posw_ref[...] = (jnp.where(lane == 0, p0, 0.0)
                         + jnp.where(lane == 1, p1, 0.0)
                         + jnp.where(lane == 2, v1, 0.0)
                         + jnp.where(lane == 3, v2, 0.0))


def _route(gates):
    return pl.pallas_call(
        _route_body,
        grid=(2 * _NBR,),
        in_specs=[
            pl.BlockSpec((_BSR, 128), lambda j: (jax.lax.rem(j, _NBR), 0)),
        ],
        out_specs=[
            pl.BlockSpec((_BSR, 128), lambda j: (jax.lax.rem(j, _NBR), 0)),
            pl.BlockSpec((1, 128), lambda j: (0, 0)),
        ],
        out_shape=[
            jax.ShapeDtypeStruct((S, 128), jnp.float32),
            jax.ShapeDtypeStruct((1, 128), jnp.int32),
        ],
        scratch_shapes=[
            pltpu.VMEM((S, 128), jnp.float32),
            pltpu.VMEM((1, 128), jnp.float32),
            pltpu.VMEM((1, 128), jnp.float32),
        ],
    )(gates)


_SLICE = NROWS // 32
_CH = _SLICE // 2


def _sc_dispatch(row_tok, h2bits):
    mesh = plsc.VectorSubcoreMesh(core_axis_name="c", subcore_axis_name="s")

    @functools.partial(
        pl.kernel, mesh=mesh,
        out_type=jax.ShapeDtypeStruct((NROWS, D // 2), jnp.float32),
        scratch_types=[
            pltpu.VMEM((_CH,), jnp.int32),
            pltpu.VMEM((_CH, D // 2), jnp.float32),
            pltpu.SemaphoreType.DMA,
        ],
    )
    def k(rt_hbm, h2_hbm, xs_hbm, idx_v, rows_v, sem):
        wid = jax.lax.axis_index("s") * 2 + jax.lax.axis_index("c")
        base = wid * _SLICE
        for c in range(2):
            pltpu.sync_copy(rt_hbm.at[pl.ds(base + c * _CH, _CH)], idx_v)
            pltpu.async_copy(h2_hbm.at[idx_v], rows_v, sem).wait()
            pltpu.sync_copy(rows_v, xs_hbm.at[pl.ds(base + c * _CH, _CH)])

    return k(row_tok, h2bits)


def _sc_combine(pos, ysbits):
    mesh = plsc.VectorSubcoreMesh(core_axis_name="c", subcore_axis_name="s")
    nrow = NA // 32

    @functools.partial(
        pl.kernel, mesh=mesh,
        out_type=jax.ShapeDtypeStruct((NA, D // 2), jnp.float32),
        scratch_types=[
            pltpu.VMEM((nrow,), jnp.int32),
            pltpu.VMEM((nrow, D // 2), jnp.float32),
            pltpu.SemaphoreType.DMA,
        ],
    )
    def k(pos_hbm, ys_hbm, out_hbm, idx_v, rows_v, sem):
        wid = jax.lax.axis_index("s") * 2 + jax.lax.axis_index("c")
        base = wid * nrow
        pltpu.sync_copy(pos_hbm.at[pl.ds(base, nrow)], idx_v)
        pltpu.async_copy(ys_hbm.at[idx_v], rows_v, sem).wait()
        pltpu.sync_copy(rows_v, out_hbm.at[pl.ds(base, nrow)])

    return k(pos, ysbits)


def _moe_sparse_body(s_ref, xs_ref, w1_ref, w3_ref, w2_ref, g_ref, ys_ref):
    i = pl.program_id(0)

    @pl.when(i < s_ref[NT])
    def _():
        h = xs_ref[...]
        a = _dot(h, w1_ref[0])
        bmat = _dot(h, w3_ref[0])
        inner = (a * jax.nn.sigmoid(a)) * bmat
        ye = _dot(inner.astype(jnp.bfloat16), w2_ref[0])
        ys_ref[...] = (ye * g_ref[...]).astype(jnp.bfloat16)


def _moe_sparse(te_arr, xs_b, W1b, W3b, W2b, gate_col):
    grid_spec = pltpu.PrefetchScalarGridSpec(
        num_scalar_prefetch=1,
        grid=(NT,),
        in_specs=[
            pl.BlockSpec((TILE, D), lambda i, s: (i, 0)),
            pl.BlockSpec((1, D, F), lambda i, s: (s[i], 0, 0)),
            pl.BlockSpec((1, D, F), lambda i, s: (s[i], 0, 0)),
            pl.BlockSpec((1, F, D), lambda i, s: (s[i], 0, 0)),
            pl.BlockSpec((TILE, 1), lambda i, s: (i, 0)),
        ],
        out_specs=pl.BlockSpec((TILE, D), lambda i, s: (i, 0)),
    )
    return pl.pallas_call(
        _moe_sparse_body,
        grid_spec=grid_spec,
        out_shape=jax.ShapeDtypeStruct((NROWS, D), jnp.bfloat16),
    )(te_arr, xs_b, W1b, W3b, W2b, gate_col)


def _final_body(x2_ref, m0_ref, m1_ref, h2_ref, ws1_ref, ws3_ref, ws2_ref,
                sig_ref, lnf_ref, wh_ref, bh_ref, t_ref, m_ref,
                g_ref, p_ref, acc_ref, loss_ref, *, nb):
    i = pl.program_id(0)

    @pl.when(i == 0)
    def _():
        acc_ref[...] = jnp.zeros_like(acc_ref)

    h = h2_ref[...]
    a = _dot(h, ws1_ref[...])
    bmat = _dot(h, ws3_ref[...])
    shared = _dot(((a * jax.nn.sigmoid(a)) * bmat).astype(jnp.bfloat16),
                  ws2_ref[...])
    moe = (m0_ref[...] + m1_ref[...]).astype(jnp.float32) + \
        sig_ref[...] * shared
    x3 = x2_ref[...] + moe
    hf = _rmsnorm(x3, lnf_ref[...])
    pred = _dot(hf, wh_ref[...])[:, :1] + bh_ref[...]
    diff = pred - t_ref[...]
    msk = m_ref[...]
    lane = jax.lax.broadcasted_iota(jnp.int32, g_ref.shape, 1)
    fsel = ((g_ref[...] > 0) & (lane < E)).astype(jnp.float32)
    acc_ref[0:1, 0:1] += jnp.sum(diff * diff * msk, axis=(0, 1),
                                 keepdims=True)
    acc_ref[1:2, 0:1] += jnp.sum(msk, axis=(0, 1), keepdims=True)
    acc_ref[2:3, :] += jnp.sum(fsel, axis=0, keepdims=True)
    acc_ref[3:4, :] += jnp.sum(p_ref[...], axis=0, keepdims=True)

    @pl.when(i == nb - 1)
    def _():
        mse = acc_ref[0:1, 0:1] / jnp.maximum(acc_ref[1:2, 0:1], 1.0)
        lane1 = jax.lax.broadcasted_iota(jnp.int32, (1, 128), 1)
        fp = jnp.where(lane1 < E, acc_ref[2:3, :] * acc_ref[3:4, :], 0.0)
        aux = (E / (S * S * 1.0)) * jnp.sum(fp, axis=(0, 1), keepdims=True)
        loss_ref[...] = mse + 0.02 * aux


def _final_loss(x2, moe0, moe1, h2b, Ws1b, Ws3b, Ws2b, sig, lnf, Whcat,
                b_head, t_col, m_col, gates, probs, bs=512):
    nb = S // bs
    body = functools.partial(_final_body, nb=nb)
    acc, loss = pl.pallas_call(
        body,
        grid=(nb,),
        in_specs=[
            pl.BlockSpec((bs, D), lambda i: (i, 0)),
            pl.BlockSpec((bs, D), lambda i: (i, 0)),
            pl.BlockSpec((bs, D), lambda i: (i, 0)),
            pl.BlockSpec((bs, D), lambda i: (i, 0)),
            pl.BlockSpec((D, F), lambda i: (0, 0)),
            pl.BlockSpec((D, F), lambda i: (0, 0)),
            pl.BlockSpec((F, D), lambda i: (0, 0)),
            pl.BlockSpec((bs, 1), lambda i: (i, 0)),
            pl.BlockSpec((1, D), lambda i: (0, 0)),
            pl.BlockSpec((D, 128), lambda i: (0, 0)),
            pl.BlockSpec((1, 1), lambda i: (0, 0)),
            pl.BlockSpec((bs, 1), lambda i: (i, 0)),
            pl.BlockSpec((bs, 1), lambda i: (i, 0)),
            pl.BlockSpec((bs, 128), lambda i: (i, 0)),
            pl.BlockSpec((bs, 128), lambda i: (i, 0)),
        ],
        out_specs=[
            pl.BlockSpec((4, 128), lambda i: (0, 0)),
            pl.BlockSpec((1, 1), lambda i: (0, 0)),
        ],
        out_shape=[
            jax.ShapeDtypeStruct((4, 128), jnp.float32),
            jax.ShapeDtypeStruct((1, 1), jnp.float32),
        ],
    )(x2, moe0, moe1, h2b, Ws1b, Ws3b, Ws2b, sig, lnf.reshape(1, D), Whcat,
      b_head.reshape(1, 1), t_col, m_col, gates, probs)
    return loss


def kernel(context, target, mask, W_in, b_in, ln1, ln2, lnf, Wq, Wk, Wv, Wo,
           W_router, W1, W3, W2, Ws1, Ws3, Ws2, W_sg, W_head, b_head):
    bf = jnp.bfloat16
    c_col = context.reshape(S, 1)
    x, q, k, v = _embed_qkv(c_col, W_in, b_in, ln1,
                            Wq.astype(bf), Wk.astype(bf), Wv.astype(bf))

    qh = q.reshape(S, H, DH).transpose(1, 0, 2)
    kh = k.reshape(S, H, DH).transpose(1, 0, 2)
    vh = v.reshape(S, H, DH).transpose(1, 0, 2)
    oh = _flash_attn(qh, kh, vh)
    o = oh.transpose(1, 0, 2).reshape(S, D)

    Wrcat = jnp.zeros((D, 128), jnp.float32)
    Wrcat = Wrcat.at[:, :E].set(W_router).at[:, E:E + 1].set(W_sg)
    x2, h2b, gates, probs = _post_router(x, o.astype(bf), Wo.astype(bf),
                                         ln2, Wrcat)

    posw, te = _route(gates)
    pos_cat = jnp.concatenate([posw[:, 0], posw[:, 1]]).astype(jnp.int32)
    w_cat = jnp.concatenate([posw[:, 2], posw[:, 3]])
    tok_cat = jnp.concatenate([jnp.arange(S, dtype=jnp.int32)] * 2)
    row_tok = jnp.zeros((NROWS,), jnp.int32).at[pos_cat].set(tok_cat)
    gate_row = jnp.zeros((NROWS,), jnp.float32).at[pos_cat].set(w_cat)
    h2bits = jax.lax.bitcast_convert_type(
        h2b.reshape(S, D // 2, 2), jnp.float32)
    xs_bits = _sc_dispatch(row_tok, h2bits)
    xs_b = jax.lax.bitcast_convert_type(xs_bits, bf).reshape(NROWS, D)
    te_arr = te[0, :NT + 1]
    ys = _moe_sparse(te_arr, xs_b, W1.astype(bf), W3.astype(bf),
                     W2.astype(bf), gate_row.reshape(NROWS, 1))
    ys_bits = jax.lax.bitcast_convert_type(
        ys.reshape(NROWS, D // 2, 2), jnp.float32)
    moe_bits = _sc_combine(pos_cat, ys_bits)
    moe_cat = jax.lax.bitcast_convert_type(moe_bits, bf).reshape(NA, D)
    moe0, moe1 = moe_cat[:S], moe_cat[S:]

    Whcat = jnp.zeros((D, 128), jnp.float32).at[:, :1].set(W_head)
    loss = _final_loss(x2, moe0, moe1, h2b, Ws1.astype(bf), Ws3.astype(bf),
                       Ws2.astype(bf), gates[:, E:E + 1], lnf, Whcat, b_head,
                       target.reshape(S, 1), mask.reshape(S, 1), gates, probs)
    return jnp.reshape(loss, ())

# --- scband reference (transcript-rebuilt; emitter-appended) ---
"""Pipeline reference for scband-time-mo-e-35158602285115 (READ-ONLY COPY).

The authoritative reference and input builder live on the scoring server;
editing this copy changes nothing except your own understanding.
"""

import jax, jax.numpy as jnp
import numpy as np

B, S, D, H, E, K, F = 1, 2048, 768, 12, 8, 2, 768
DH = D // H

def rmsnorm(x, w, eps=1e-6):
    return x * jax.lax.rsqrt(jnp.mean(x * x, axis=-1, keepdims=True) + eps) * w

def setup_inputs(seed: int = 0):
    key = jax.random.key(seed)
    ks = jax.random.split(key, 20)
    s = 0.02
    return {
        "context": jax.random.normal(ks[0], (B, S), jnp.float32),
        "target": jax.random.normal(ks[1], (B, S), jnp.float32),
        "mask": jnp.ones((B, S), jnp.float32),
        "W_in": jax.random.normal(ks[2], (1, D), jnp.float32) * s,
        "b_in": jnp.zeros((D,), jnp.float32),
        "ln1": jnp.ones((D,), jnp.float32),
        "ln2": jnp.ones((D,), jnp.float32),
        "lnf": jnp.ones((D,), jnp.float32),
        "Wq": jax.random.normal(ks[3], (D, D), jnp.float32) * s,
        "Wk": jax.random.normal(ks[4], (D, D), jnp.float32) * s,
        "Wv": jax.random.normal(ks[5], (D, D), jnp.float32) * s,
        "Wo": jax.random.normal(ks[6], (D, D), jnp.float32) * s,
        "W_router": jax.random.normal(ks[7], (D, E), jnp.float32) * s,
        "W1": jax.random.normal(ks[8], (E, D, F), jnp.float32) * s,
        "W3": jax.random.normal(ks[9], (E, D, F), jnp.float32) * s,
        "W2": jax.random.normal(ks[10], (E, F, D), jnp.float32) * s,
        "Ws1": jax.random.normal(ks[11], (D, F), jnp.float32) * s,
        "Ws3": jax.random.normal(ks[12], (D, F), jnp.float32) * s,
        "Ws2": jax.random.normal(ks[13], (F, D), jnp.float32) * s,
        "W_sg": jax.random.normal(ks[14], (D, 1), jnp.float32) * s,
        "W_head": jax.random.normal(ks[15], (D, 1), jnp.float32) * s,
        "b_head": jnp.zeros((1,), jnp.float32),
    }

def reference(context, target, mask, W_in, b_in, ln1, ln2, lnf, Wq, Wk, Wv, Wo, W_router, W1, W3, W2, Ws1, Ws3, Ws2, W_sg, W_head, b_head):
    # TimeMoE-style decoder: pointwise input embedding, causal attention, MoE SwiGLU FFN with
    # top-k routing + shared expert, pointwise head, masked MSE loss + load-balancing aux loss.
    x = context[..., None] @ W_in + b_in  # [B, S, D]
    h = rmsnorm(x, ln1)
    q = (h @ Wq).reshape(B, S, H, DH).transpose(0, 2, 1, 3)
    k = (h @ Wk).reshape(B, S, H, DH).transpose(0, 2, 1, 3)
    v = (h @ Wv).reshape(B, S, H, DH).transpose(0, 2, 1, 3)
    scores = jnp.einsum('bhqd,bhkd->bhqk', q, k) / np.sqrt(DH).astype(np.float32)
    causal = jnp.tril(jnp.ones((S, S), dtype=bool))
    scores = jnp.where(causal[None, None], scores, -1e9)
    attn = jax.nn.softmax(scores, axis=-1)
    o = jnp.einsum('bhqk,bhkd->bhqd', attn, v).transpose(0, 2, 1, 3).reshape(B, S, D)
    x = x + o @ Wo
    h = rmsnorm(x, ln2).reshape(B * S, D)
    logits = h @ W_router
    probs = jax.nn.softmax(logits, axis=-1)
    vals, idx = jax.lax.top_k(probs, K)
    vals = vals / jnp.sum(vals, axis=-1, keepdims=True)
    gates = jnp.zeros((B * S, E), jnp.float32).at[jnp.arange(B * S)[:, None], idx].add(vals)
    moe = jnp.zeros_like(h)
    for e in range(E):
        ye = (jax.nn.silu(h @ W1[e]) * (h @ W3[e])) @ W2[e]
        moe = moe + gates[:, e:e + 1] * ye
    shared = (jax.nn.silu(h @ Ws1) * (h @ Ws3)) @ Ws2
    moe = moe + jax.nn.sigmoid(h @ W_sg) * shared
    x = x + moe.reshape(B, S, D)
    hf = rmsnorm(x, lnf)
    pred = (hf @ W_head + b_head)[..., 0]  # [B, S]
    denom = jnp.maximum(jnp.sum(mask), 1.0)
    mse = jnp.sum((pred - target) ** 2 * mask) / denom
    f = jnp.mean((gates > 0).astype(jnp.float32), axis=0)
    p = jnp.mean(probs, axis=0)
    aux = E * jnp.sum(f * p)
    loss = mse + 0.02 * aux
    return loss

if __name__ == "__main__":
    import jax
    _d = setup_inputs()
    print(jax.jit(kernel)(*tuple(_d.values())))

</pallas_src>

<mosaic_0001>
#map = affine_map<(d0, d1) -> (0)>
#map1 = affine_map<(d0, d1) -> (0, 0)>
module attributes {stable_mosaic.version = 14 : i64} {
  func.func @k(%arg0: i32, %arg1: i32, %arg2: memref<6144xi32, #tpu.memory_space<hbm>>, %arg3: memref<2048x384xf32, #tpu.memory_space<hbm>>, %arg4: memref<6144x384xf32, #tpu.memory_space<hbm>>, %arg5: memref<96xi32, #tpu.memory_space<vmem>>, %arg6: memref<96x384xf32, #tpu.memory_space<vmem>>, %arg7: memref<!tpu.dma_semaphore, #tpu.memory_space<semaphore_mem>>) attributes {dimension_semantics = [#tpu.dimension_semantics<core_parallel>, #tpu.dimension_semantics<subcore_parallel>], iteration_bounds = array<i64: 2, 16>, scalar_prefetch = 0 : i64, scratch_operands = 3 : i64, tpu.core_type = #tpu.core_type<sc_vector_subcore>, window_params = [{transform_indices = #map}, {transform_indices = #map1}, {transform_indices = #map1}]} {
    %mul3A = arith.constant 2 : i32
    %mul3A_0 = arith.muli %arg1, %mul3A : i32
    %add3A = arith.addi %mul3A_0, %arg0 : i32
    %mul3A_1 = arith.constant 192 : i32
    %mul3A_2 = arith.muli %add3A, %mul3A_1 : i32
    %add3A_3 = arith.constant 0 : i32
    %add3A_4 = arith.addi %mul3A_2, %add3A_3 : i32
    "tpu.region"() ({
      %run_scoped3A = tpu.sem_alloc : memref<!tpu.dma_semaphore, #tpu.memory_space<semaphore_mem>>
      %dma_start3A_21 = tpu.memref_slice %arg2[%add3A_4] : memref<6144xi32, #tpu.memory_space<hbm>> -> memref<96xi32, #tpu.memory_space<hbm>>
      %dma_start3A_22 = tpu.memref_slice %arg2[%add3A_4] : memref<6144xi32, #tpu.memory_space<hbm>> -> memref<96xi32, #tpu.memory_space<hbm>>
      tpu.enqueue_dma source(%dma_start3A_22 : memref<96xi32, #tpu.memory_space<hbm>>) target(%arg5 : memref<96xi32, #tpu.memory_space<vmem>>) target_semaphore(%run_scoped3A : memref<!tpu.dma_semaphore, #tpu.memory_space<semaphore_mem>>)
      %dma_wait3A_23 = tpu.memref_slice %arg2[%add3A_4] : memref<6144xi32, #tpu.memory_space<hbm>> -> memref<96xi32, #tpu.memory_space<hbm>>
      %dma_wait3A_24 = tpu.memref_slice %arg2[%add3A_4] : memref<6144xi32, #tpu.memory_space<hbm>> -> memref<96xi32, #tpu.memory_space<hbm>>
      tpu.wait_dma2 semaphore(%run_scoped3A : memref<!tpu.dma_semaphore, #tpu.memory_space<semaphore_mem>>) src(%dma_wait3A_24 : memref<96xi32, #tpu.memory_space<hbm>>) dst(%arg5 : memref<96xi32, #tpu.memory_space<vmem>>)
      tpu.yield
    }) : () -> ()
    %dma_start3A = arith.constant 0 : i32
    %dma_start3A_5 = arith.constant 0 : i32
    %dma_start3A_6 = tpu.memref_slice %arg3[%dma_start3A, %dma_start3A_5] : memref<2048x384xf32, #tpu.memory_space<hbm>> -> memref<2048x384xf32, #tpu.memory_space<hbm>>
    tpu.enqueue_indirect_dma source(%dma_start3A_6 : memref<2048x384xf32, #tpu.memory_space<hbm>>) target(%arg6 : memref<96x384xf32, #tpu.memory_space<vmem>>) offsets(%arg5 : memref<96xi32, #tpu.memory_space<vmem>>) semaphore(%arg7 : memref<!tpu.dma_semaphore, #tpu.memory_space<semaphore_mem>>)
    %dma_wait3A = arith.constant 0 : i32
    %dma_wait3A_7 = arith.constant 0 : i32
    %dma_wait3A_8 = tpu.memref_slice %arg3[%dma_wait3A, %dma_wait3A_7] : memref<2048x384xf32, #tpu.memory_space<hbm>> -> memref<2048x384xf32, #tpu.memory_space<hbm>>
    tpu.wait_indirect_dma semaphore(%arg7 : memref<!tpu.dma_semaphore, #tpu.memory_space<semaphore_mem>>) src(%dma_wait3A_8 : memref<2048x384xf32, #tpu.memory_space<hbm>>) dst(%arg6 : memref<96x384xf32, #tpu.memory_space<vmem>>)
    %add3A_9 = arith.constant 0 : i32
    %add3A_10 = arith.addi %mul3A_2, %add3A_9 : i32
    "tpu.region"() ({
      %run_scoped3A = tpu.sem_alloc : memref<!tpu.dma_semaphore, #tpu.memory_space<semaphore_mem>>
      %dma_start3A_21 = arith.constant 0 : i32
      %dma_start3A_22 = tpu.memref_slice %arg4[%add3A_10, %dma_start3A_21] : memref<6144x384xf32, #tpu.memory_space<hbm>> -> memref<96x384xf32, #tpu.memory_space<hbm>>
      %dma_start3A_23 = arith.constant 0 : i32
      %dma_start3A_24 = tpu.memref_slice %arg4[%add3A_10, %dma_start3A_23] : memref<6144x384xf32, #tpu.memory_space<hbm>> -> memref<96x384xf32, #tpu.memory_space<hbm>>
      tpu.enqueue_dma source(%arg6 : memref<96x384xf32, #tpu.memory_space<vmem>>) target(%dma_start3A_24 : memref<96x384xf32, #tpu.memory_space<hbm>>) target_semaphore(%run_scoped3A : memref<!tpu.dma_semaphore, #tpu.memory_space<semaphore_mem>>)
      %dma_wait3A_25 = arith.constant 0 : i32
      %dma_wait3A_26 = tpu.memref_slice %arg4[%add3A_10, %dma_wait3A_25] : memref<6144x384xf32, #tpu.memory_space<hbm>> -> memref<96x384xf32, #tpu.memory_space<hbm>>
      %dma_wait3A_27 = arith.constant 0 : i32
      %dma_wait3A_28 = tpu.memref_slice %arg4[%add3A_10, %dma_wait3A_27] : memref<6144x384xf32, #tpu.memory_space<hbm>> -> memref<96x384xf32, #tpu.memory_space<hbm>>
      tpu.wait_dma2 semaphore(%run_scoped3A : memref<!tpu.dma_semaphore, #tpu.memory_space<semaphore_mem>>) src(%arg6 : memref<96x384xf32, #tpu.memory_space<vmem>>) dst(%dma_wait3A_28 : memref<96x384xf32, #tpu.memory_space<hbm>>)
      tpu.yield
    }) : () -> ()
    %add3A_11 = arith.constant 96 : i32
    %add3A_12 = arith.addi %mul3A_2, %add3A_11 : i32
    "tpu.region"() ({
      %run_scoped3A = tpu.sem_alloc : memref<!tpu.dma_semaphore, #tpu.memory_space<semaphore_mem>>
      %dma_start3A_21 = tpu.memref_slice %arg2[%add3A_12] : memref<6144xi32, #tpu.memory_space<hbm>> -> memref<96xi32, #tpu.memory_space<hbm>>
      %dma_start3A_22 = tpu.memref_slice %arg2[%add3A_12] : memref<6144xi32, #tpu.memory_space<hbm>> -> memref<96xi32, #tpu.memory_space<hbm>>
      tpu.enqueue_dma source(%dma_start3A_22 : memref<96xi32, #tpu.memory_space<hbm>>) target(%arg5 : memref<96xi32, #tpu.memory_space<vmem>>) target_semaphore(%run_scoped3A : memref<!tpu.dma_semaphore, #tpu.memory_space<semaphore_mem>>)
      %dma_wait3A_23 = tpu.memref_slice %arg2[%add3A_12] : memref<6144xi32, #tpu.memory_space<hbm>> -> memref<96xi32, #tpu.memory_space<hbm>>
      %dma_wait3A_24 = tpu.memref_slice %arg2[%add3A_12] : memref<6144xi32, #tpu.memory_space<hbm>> -> memref<96xi32, #tpu.memory_space<hbm>>
      tpu.wait_dma2 semaphore(%run_scoped3A : memref<!tpu.dma_semaphore, #tpu.memory_space<semaphore_mem>>) src(%dma_wait3A_24 : memref<96xi32, #tpu.memory_space<hbm>>) dst(%arg5 : memref<96xi32, #tpu.memory_space<vmem>>)
      tpu.yield
    }) : () -> ()
    %dma_start3A_13 = arith.constant 0 : i32
    %dma_start3A_14 = arith.constant 0 : i32
    %dma_start3A_15 = tpu.memref_slice %arg3[%dma_start3A_13, %dma_start3A_14] : memref<2048x384xf32, #tpu.memory_space<hbm>> -> memref<2048x384xf32, #tpu.memory_space<hbm>>
    tpu.enqueue_indirect_dma source(%dma_start3A_15 : memref<2048x384xf32, #tpu.memory_space<hbm>>) target(%arg6 : memref<96x384xf32, #tpu.memory_space<vmem>>) offsets(%arg5 : memref<96xi32, #tpu.memory_space<vmem>>) semaphore(%arg7 : memref<!tpu.dma_semaphore, #tpu.memory_space<semaphore_mem>>)
    %dma_wait3A_16 = arith.constant 0 : i32
    %dma_wait3A_17 = arith.constant 0 : i32
    %dma_wait3A_18 = tpu.memref_slice %arg3[%dma_wait3A_16, %dma_wait3A_17] : memref<2048x384xf32, #tpu.memory_space<hbm>> -> memref<2048x384xf32, #tpu.memory_space<hbm>>
    tpu.wait_indirect_dma semaphore(%arg7 : memref<!tpu.dma_semaphore, #tpu.memory_space<semaphore_mem>>) src(%dma_wait3A_18 : memref<2048x384xf32, #tpu.memory_space<hbm>>) dst(%arg6 : memref<96x384xf32, #tpu.memory_space<vmem>>)
    %add3A_19 = arith.constant 96 : i32
    %add3A_20 = arith.addi %mul3A_2, %add3A_19 : i32
    "tpu.region"() ({
      %run_scoped3A = tpu.sem_alloc : memref<!tpu.dma_semaphore, #tpu.memory_space<semaphore_mem>>
      %dma_start3A_21 = arith.constant 0 : i32
      %dma_start3A_22 = tpu.memref_slice %arg4[%add3A_20, %dma_start3A_21] : memref<6144x384xf32, #tpu.memory_space<hbm>> -> memref<96x384xf32, #tpu.memory_space<hbm>>
      %dma_start3A_23 = arith.constant 0 : i32
      %dma_start3A_24 = tpu.memref_slice %arg4[%add3A_20, %dma_start3A_23] : memref<6144x384xf32, #tpu.memory_space<hbm>> -> memref<96x384xf32, #tpu.memory_space<hbm>>
      tpu.enqueue_dma source(%arg6 : memref<96x384xf32, #tpu.memory_space<vmem>>) target(%dma_start3A_24 : memref<96x384xf32, #tpu.memory_space<hbm>>) target_semaphore(%run_scoped3A : memref<!tpu.dma_semaphore, #tpu.memory_space<semaphore_mem>>)
      %dma_wait3A_25 = arith.constant 0 : i32
      %dma_wait3A_26 = tpu.memref_slice %arg4[%add3A_20, %dma_wait3A_25] : memref<6144x384xf32, #tpu.memory_space<hbm>> -> memref<96x384xf32, #tpu.memory_space<hbm>>
      %dma_wait3A_27 = arith.constant 0 : i32
      %dma_wait3A_28 = tpu.memref_slice %arg4[%add3A_20, %dma_wait3A_27] : memref<6144x384xf32, #tpu.memory_space<hbm>> -> memref<96x384xf32, #tpu.memory_space<hbm>>
      tpu.wait_dma2 semaphore(%run_scoped3A : memref<!tpu.dma_semaphore, #tpu.memory_space<semaphore_mem>>) src(%arg6 : memref<96x384xf32, #tpu.memory_space<vmem>>) dst(%dma_wait3A_28 : memref<96x384xf32, #tpu.memory_space<hbm>>)
      tpu.yield
    }) : () -> ()
    return
  }
}

#map = affine_map<(d0, d1) -> (0)>
#map1 = affine_map<(d0, d1) -> (0, 0)>
module attributes {stable_mosaic.version = 14 : i64} {
  func.func @k(%arg0: i32, %arg1: i32, %arg2: memref<4096xi32, #tpu.memory_space<hbm>>, %arg3: memref<6144x384xf32, #tpu.memory_space<hbm>>, %arg4: memref<4096x384xf32, #tpu.memory_space<hbm>>, %arg5: memref<128xi32, #tpu.memory_space<vmem>>, %arg6: memref<128x384xf32, #tpu.memory_space<vmem>>, %arg7: memref<!tpu.dma_semaphore, #tpu.memory_space<semaphore_mem>>) attributes {dimension_semantics = [#tpu.dimension_semantics<core_parallel>, #tpu.dimension_semantics<subcore_parallel>], iteration_bounds = array<i64: 2, 16>, scalar_prefetch = 0 : i64, scratch_operands = 3 : i64, tpu.core_type = #tpu.core_type<sc_vector_subcore>, window_params = [{transform_indices = #map}, {transform_indices = #map1}, {transform_indices = #map1}]} {
    %mul3A = arith.constant 2 : i32
    %mul3A_0 = arith.muli %arg1, %mul3A : i32
    %add3A = arith.addi %mul3A_0, %arg0 : i32
    %mul3A_1 = arith.constant 128 : i32
    %mul3A_2 = arith.muli %add3A, %mul3A_1 : i32
    "tpu.region"() ({
      %run_scoped3A = tpu.sem_alloc : memref<!tpu.dma_semaphore, #tpu.memory_space<semaphore_mem>>
      %dma_start3A_7 = tpu.memref_slice %arg2[%mul3A_2] : memref<4096xi32, #tpu.memory_space<hbm>> -> memref<128xi32, #tpu.memory_space<hbm>>
      %dma_start3A_8 = tpu.memref_slice %arg2[%mul3A_2] : memref<4096xi32, #tpu.memory_space<hbm>> -> memref<128xi32, #tpu.memory_space<hbm>>
      tpu.enqueue_dma source(%dma_start3A_8 : memref<128xi32, #tpu.memory_space<hbm>>) target(%arg5 : memref<128xi32, #tpu.memory_space<vmem>>) target_semaphore(%run_scoped3A : memref<!tpu.dma_semaphore, #tpu.memory_space<semaphore_mem>>)
      %dma_wait3A_9 = tpu.memref_slice %arg2[%mul3A_2] : memref<4096xi32, #tpu.memory_space<hbm>> -> memref<128xi32, #tpu.memory_space<hbm>>
      %dma_wait3A_10 = tpu.memref_slice %arg2[%mul3A_2] : memref<4096xi32, #tpu.memory_space<hbm>> -> memref<128xi32, #tpu.memory_space<hbm>>
      tpu.wait_dma2 semaphore(%run_scoped3A : memref<!tpu.dma_semaphore, #tpu.memory_space<semaphore_mem>>) src(%dma_wait3A_10 : memref<128xi32, #tpu.memory_space<hbm>>) dst(%arg5 : memref<128xi32, #tpu.memory_space<vmem>>)
      tpu.yield
    }) : () -> ()
    %dma_start3A = arith.constant 0 : i32
    %dma_start3A_3 = arith.constant 0 : i32
    %dma_start3A_4 = tpu.memref_slice %arg3[%dma_start3A, %dma_start3A_3] : memref<6144x384xf32, #tpu.memory_space<hbm>> -> memref<6144x384xf32, #tpu.memory_space<hbm>>
    tpu.enqueue_indirect_dma source(%dma_start3A_4 : memref<6144x384xf32, #tpu.memory_space<hbm>>) target(%arg6 : memref<128x384xf32, #tpu.memory_space<vmem>>) offsets(%arg5 : memref<128xi32, #tpu.memory_space<vmem>>) semaphore(%arg7 : memref<!tpu.dma_semaphore, #tpu.memory_space<semaphore_mem>>)
    %dma_wait3A = arith.constant 0 : i32
    %dma_wait3A_5 = arith.constant 0 : i32
    %dma_wait3A_6 = tpu.memref_slice %arg3[%dma_wait3A, %dma_wait3A_5] : memref<6144x384xf32, #tpu.memory_space<hbm>> -> memref<6144x384xf32, #tpu.memory_space<hbm>>
    tpu.wait_indirect_dma semaphore(%arg7 : memref<!tpu.dma_semaphore, #tpu.memory_space<semaphore_mem>>) src(%dma_wait3A_6 : memref<6144x384xf32, #tpu.memory_space<hbm>>) dst(%arg6 : memref<128x384xf32, #tpu.memory_space<vmem>>)
    "tpu.region"() ({
      %run_scoped3A = tpu.sem_alloc : memref<!tpu.dma_semaphore, #tpu.memory_space<semaphore_mem>>
      %dma_start3A_7 = arith.constant 0 : i32
      %dma_start3A_8 = tpu.memref_slice %arg4[%mul3A_2, %dma_start3A_7] : memref<4096x384xf32, #tpu.memory_space<hbm>> -> memref<128x384xf32, #tpu.memory_space<hbm>>
      %dma_start3A_9 = arith.constant 0 : i32
      %dma_start3A_10 = tpu.memref_slice %arg4[%mul3A_2, %dma_start3A_9] : memref<4096x384xf32, #tpu.memory_space<hbm>> -> memref<128x384xf32, #tpu.memory_space<hbm>>
      tpu.enqueue_dma source(%arg6 : memref<128x384xf32, #tpu.memory_space<vmem>>) target(%dma_start3A_10 : memref<128x384xf32, #tpu.memory_space<hbm>>) target_semaphore(%run_scoped3A : memref<!tpu.dma_semaphore, #tpu.memory_space<semaphore_mem>>)
      %dma_wait3A_11 = arith.constant 0 : i32
      %dma_wait3A_12 = tpu.memref_slice %arg4[%mul3A_2, %dma_wait3A_11] : memref<4096x384xf32, #tpu.memory_space<hbm>> -> memref<128x384xf32, #tpu.memory_space<hbm>>
      %dma_wait3A_13 = arith.constant 0 : i32
      %dma_wait3A_14 = tpu.memref_slice %arg4[%mul3A_2, %dma_wait3A_13] : memref<4096x384xf32, #tpu.memory_space<hbm>> -> memref<128x384xf32, #tpu.memory_space<hbm>>
      tpu.wait_dma2 semaphore(%run_scoped3A : memref<!tpu.dma_semaphore, #tpu.memory_space<semaphore_mem>>) src(%arg6 : memref<128x384xf32, #tpu.memory_space<vmem>>) dst(%dma_wait3A_14 : memref<128x384xf32, #tpu.memory_space<hbm>>)
      tpu.yield
    }) : () -> ()
    return
  }
}

module attributes {stable_mosaic.version = 14 : i64} {
  func.func @_embed_qkv_body(%arg0: i32, %arg1: memref<512x1xf32, #tpu.memory_space<vmem>>, %arg2: memref<1x768xf32, #tpu.memory_space<vmem>>, %arg3: memref<1x768xf32, #tpu.memory_space<vmem>>, %arg4: memref<1x768xf32, #tpu.memory_space<vmem>>, %arg5: memref<768x768xbf16, #tpu.memory_space<vmem>>, %arg6: memref<768x768xbf16, #tpu.memory_space<vmem>>, %arg7: memref<768x768xbf16, #tpu.memory_space<vmem>>, %arg8: memref<512x768xf32, #tpu.memory_space<vmem>>, %arg9: memref<512x768xbf16, #tpu.memory_space<vmem>>, %arg10: memref<512x768xbf16, #tpu.memory_space<vmem>>, %arg11: memref<512x768xbf16, #tpu.memory_space<vmem>>) attributes {dimension_semantics = [#tpu.dimension_semantics<arbitrary>], iteration_bounds = array<i64: 4>, scalar_prefetch = 0 : i64, scratch_operands = 0 : i64, tpu.core_type = #tpu.core_type<tc>, window_params = [{transform_indices = @transform_0, window_bounds = array<i64: 512, 1>}, {pipeline_mode = #tpu.pipeline_mode<synchronous>, transform_indices = @transform_1, window_bounds = array<i64: 1, 768>}, {pipeline_mode = #tpu.pipeline_mode<synchronous>, transform_indices = @transform_2, window_bounds = array<i64: 1, 768>}, {pipeline_mode = #tpu.pipeline_mode<synchronous>, transform_indices = @transform_3, window_bounds = array<i64: 1, 768>}, {pipeline_mode = #tpu.pipeline_mode<synchronous>, transform_indices = @transform_4, window_bounds = array<i64: 768, 768>}, {pipeline_mode = #tpu.pipeline_mode<synchronous>, transform_indices = @transform_5, window_bounds = array<i64: 768, 768>}, {pipeline_mode = #tpu.pipeline_mode<synchronous>, transform_indices = @transform_6, window_bounds = array<i64: 768, 768>}, {transform_indices = @transform_7, window_bounds = array<i64: 512, 768>}, {transform_indices = @transform_8, window_bounds = array<i64: 512, 768>}, {transform_indices = @transform_9, window_bounds = array<i64: 512, 768>}, {transform_indices = @transform_10, window_bounds = array<i64: 512, 768>}]} {
    %get3A = arith.constant 0 : index
    %get3A_0 = arith.constant 0 : index
    %get3A_1 = vector.load %arg1[%get3A, %get3A_0] : memref<512x1xf32, #tpu.memory_space<vmem>>, vector<512x1xf32>
    %get3A_2 = arith.constant 0 : index
    %get3A_3 = arith.constant 0 : index
    %get3A_4 = vector.load %arg2[%get3A_2, %get3A_3] : memref<1x768xf32, #tpu.memory_space<vmem>>, vector<1x768xf32>
    %mul3A = vector.broadcast %get3A_1 : vector<512x1xf32> to vector<512x768xf32>
    %mul3A_5 = vector.broadcast %get3A_4 : vector<1x768xf32> to vector<512x768xf32>
    %mul3A_6 = arith.mulf %mul3A, %mul3A_5 : vector<512x768xf32>
    %get3A_7 = arith.constant 0 : index
    %get3A_8 = arith.constant 0 : index
    %get3A_9 = vector.load %arg3[%get3A_7, %get3A_8] : memref<1x768xf32, #tpu.memory_space<vmem>>, vector<1x768xf32>
    %add3A = vector.broadcast %get3A_9 : vector<1x768xf32> to vector<512x768xf32>
    %add3A_10 = arith.addf %mul3A_6, %add3A : vector<512x768xf32>
    %swap3A = arith.constant 0 : index
    %swap3A_11 = arith.constant 0 : index
    %swap3A_12 = vector.load %arg8[%swap3A, %swap3A_11] : memref<512x768xf32, #tpu.memory_space<vmem>>, vector<512x768xf32>
    tpu.vector_store %arg8[%swap3A, %swap3A_11], %add3A_10 {strides = array<i32>} : memref<512x768xf32, #tpu.memory_space<vmem>>, vector<512x768xf32>,
    %get3A_13 = arith.constant 0 : index
    %get3A_14 = arith.constant 0 : index
    %get3A_15 = vector.load %arg4[%get3A_13, %get3A_14] : memref<1x768xf32, #tpu.memory_space<vmem>>, vector<1x768xf32>
    %mul3A_16 = arith.mulf %add3A_10, %add3A_10 : vector<512x768xf32>
    %reduce_sum3A = arith.constant dense<0.000000e+00> : vector<512xf32>
    %reduce_sum3A_17 = vector.multi_reduction <add>, %mul3A_16, %reduce_sum3A [1] : vector<512x768xf32> to vector<512xf32>
    %broadcast_in_dim3A = vector.shape_cast %reduce_sum3A_17 : vector<512xf32> to vector<512x1xf32>
    %div3A = arith.constant 7.680000e+02 : f32
    %div3A_18 = vector.broadcast %div3A : f32 to vector<512x1xf32>
    %div3A_19 = arith.divf %broadcast_in_dim3A, %div3A_18 : vector<512x1xf32>
    %add3A_20 = arith.constant 9.99999997E-7 : f32
    %add3A_21 = vector.broadcast %add3A_20 : f32 to vector<512x1xf32>
    %add3A_22 = arith.addf %div3A_19, %add3A_21 : vector<512x1xf32>
    %rsqrt3A = math.rsqrt %add3A_22 : vector<512x1xf32>
    %mul3A_23 = vector.broadcast %rsqrt3A : vector<512x1xf32> to vector<512x768xf32>
    %mul3A_24 = arith.mulf %add3A_10, %mul3A_23 : vector<512x768xf32>
    %mul3A_25 = vector.broadcast %get3A_15 : vector<1x768xf32> to vector<512x768xf32>
    %mul3A_26 = arith.mulf %mul3A_24, %mul3A_25 : vector<512x768xf32>
    %convert_element_type3A = arith.truncf %mul3A_26 : vector<512x768xf32> to vector<512x768xbf16>
    %get3A_27 = arith.constant 0 : index
    %get3A_28 = arith.constant 0 : index
    %get3A_29 = vector.load %arg5[%get3A_27, %get3A_28] : memref<768x768xbf16, #tpu.memory_space<vmem>>, vector<768x768xbf16>
    %dot_general3A = arith.constant dense<0.000000e+00> : vector<512x768xf32>
    %dot_general3A_30 = tpu.matmul %convert_element_type3A, %get3A_29, %dot_general3A {dimension_numbers = #tpu.dot_dimension_numbers<[1], [0], [0], [1], [0, 0, 1, 1], [], []>, transpose_lhs_hint = false} : vector<512x768xbf16>, vector<768x768xbf16>, vector<512x768xf32> -> vector<512x768xf32>
    %convert_element_type3A_31 = arith.truncf %dot_general3A_30 : vector<512x768xf32> to vector<512x768xbf16>
    %swap3A_32 = arith.constant 0 : index
    %swap3A_33 = arith.constant 0 : index
    %swap3A_34 = vector.load %arg9[%swap3A_32, %swap3A_33] : memref<512x768xbf16, #tpu.memory_space<vmem>>, vector<512x768xbf16>
    tpu.vector_store %arg9[%swap3A_32, %swap3A_33], %convert_element_type3A_31 {strides = array<i32>} : memref<512x768xbf16, #tpu.memory_space<vmem>>, vector<512x768xbf16>,
    %get3A_35 = arith.constant 0 : index
    %get3A_36 = arith.constant 0 : index
    %get3A_37 = vector.load %arg6[%get3A_35, %get3A_36] : memref<768x768xbf16, #tpu.memory_space<vmem>>, vector<768x768xbf16>
    %dot_general3A_38 = arith.constant dense<0.000000e+00> : vector<512x768xf32>
    %dot_general3A_39 = tpu.matmul %convert_element_type3A, %get3A_37, %dot_general3A_38 {dimension_numbers = #tpu.dot_dimension_numbers<[1], [0], [0], [1], [0, 0, 1, 1], [], []>, transpose_lhs_hint = false} : vector<512x768xbf16>, vector<768x768xbf16>, vector<512x768xf32> -> vector<512x768xf32>
    %convert_element_type3A_40 = arith.truncf %dot_general3A_39 : vector<512x768xf32> to vector<512x768xbf16>
    %swap3A_41 = arith.constant 0 : index
    %swap3A_42 = arith.constant 0 : index
    %swap3A_43 = vector.load %arg10[%swap3A_41, %swap3A_42] : memref<512x768xbf16, #tpu.memory_space<vmem>>, vector<512x768xbf16>
    tpu.vector_store %arg10[%swap3A_41, %swap3A_42], %convert_element_type3A_40 {strides = array<i32>} : memref<512x768xbf16, #tpu.memory_space<vmem>>, vector<512x768xbf16>,
    %get3A_44 = arith.constant 0 : index
    %get3A_45 = arith.constant 0 : index
    %get3A_46 = vector.load %arg7[%get3A_44, %get3A_45] : memref<768x768xbf16, #tpu.memory_space<vmem>>, vector<768x768xbf16>
    %dot_general3A_47 = arith.constant dense<0.000000e+00> : vector<512x768xf32>
    %dot_general3A_48 = tpu.matmul %convert_element_type3A, %get3A_46, %dot_general3A_47 {dimension_numbers = #tpu.dot_dimension_numbers<[1], [0], [0], [1], [0, 0, 1, 1], [], []>, transpose_lhs_hint = false} : vector<512x768xbf16>, vector<768x768xbf16>, vector<512x768xf32> -> vector<512x768xf32>
    %convert_element_type3A_49 = arith.truncf %dot_general3A_48 : vector<512x768xf32> to vector<512x768xbf16>
    %swap3A_50 = arith.constant 0 : index
    %swap3A_51 = arith.constant 0 : index
    %swap3A_52 = vector.load %arg11[%swap3A_50, %swap3A_51] : memref<512x768xbf16, #tpu.memory_space<vmem>>, vector<512x768xbf16>
    tpu.vector_store %arg11[%swap3A_50, %swap3A_51], %convert_element_type3A_49 {strides = array<i32>} : memref<512x768xbf16, #tpu.memory_space<vmem>>, vector<512x768xbf16>,
    return
  }
  func.func @transform_0(%arg0: i32) -> (i32, i32) {
    %c0_i32 = arith.constant 0 : i32
    %c0_i32_0 = arith.constant 0 : i32
    return %arg0, %c0_i32 : i32, i32
  }
  func.func @transform_1(%arg0: i32) -> (i32, i32) {
    %c0_i32 = arith.constant 0 : i32
    %c0_i32_0 = arith.constant 0 : i32
    %c0_i32_1 = arith.constant 0 : i32
    return %c0_i32, %c0_i32_0 : i32, i32
  }
  func.func @transform_2(%arg0: i32) -> (i32, i32) {
    %c0_i32 = arith.constant 0 : i32
    %c0_i32_0 = arith.constant 0 : i32
    %c0_i32_1 = arith.constant 0 : i32
    return %c0_i32, %c0_i32_0 : i32, i32
  }
  func.func @transform_3(%arg0: i32) -> (i32, i32) {
    %c0_i32 = arith.constant 0 : i32
    %c0_i32_0 = arith.constant 0 : i32
    %c0_i32_1 = arith.constant 0 : i32
    return %c0_i32, %c0_i32_0 : i32, i32
  }
  func.func @transform_4(%arg0: i32) -> (i32, i32) {
    %c0_i32 = arith.constant 0 : i32
    %c0_i32_0 = arith.constant 0 : i32
    %c0_i32_1 = arith.constant 0 : i32
    return %c0_i32, %c0_i32_0 : i32, i32
  }
  func.func @transform_5(%arg0: i32) -> (i32, i32) {
    %c0_i32 = arith.constant 0 : i32
    %c0_i32_0 = arith.constant 0 : i32
    %c0_i32_1 = arith.constant 0 : i32
    return %c0_i32, %c0_i32_0 : i32, i32
  }
  func.func @transform_6(%arg0: i32) -> (i32, i32) {
    %c0_i32 = arith.constant 0 : i32
    %c0_i32_0 = arith.constant 0 : i32
    %c0_i32_1 = arith.constant 0 : i32
    return %c0_i32, %c0_i32_0 : i32, i32
  }
  func.func @transform_7(%arg0: i32) -> (i32, i32) {
    %c0_i32 = arith.constant 0 : i32
    %c0_i32_0 = arith.constant 0 : i32
    return %arg0, %c0_i32 : i32, i32
  }
  func.func @transform_8(%arg0: i32) -> (i32, i32) {
    %c0_i32 = arith.constant 0 : i32
    %c0_i32_0 = arith.constant 0 : i32
    return %arg0, %c0_i32 : i32, i32
  }
  func.func @transform_9(%arg0: i32) -> (i32, i32) {
    %c0_i32 = arith.constant 0 : i32
    %c0_i32_0 = arith.constant 0 : i32
    return %arg0, %c0_i32 : i32, i32
  }
  func.func @transform_10(%arg0: i32) -> (i32, i32) {
    %c0_i32 = arith.constant 0 : i32
    %c0_i32_0 = arith.constant 0 : i32
    return %arg0, %c0_i32 : i32, i32
  }
}

module attributes {stable_mosaic.version = 14 : i64} {
  func.func @_flash_body(%arg0: i32, %arg1: i32, %arg2: memref<1x512x64xbf16, #tpu.memory_space<vmem>>, %arg3: memref<1x2048x64xbf16, #tpu.memory_space<vmem>>, %arg4: memref<1x2048x64xbf16, #tpu.memory_space<vmem>>, %arg5: memref<1x512x64xbf16, #tpu.memory_space<vmem>>) attributes {dimension_semantics = [#tpu.dimension_semantics<arbitrary>, #tpu.dimension_semantics<arbitrary>], iteration_bounds = array<i64: 12, 4>, scalar_prefetch = 0 : i64, scratch_operands = 0 : i64, tpu.core_type = #tpu.core_type<tc>, window_params = [{transform_indices = @transform_0, window_bounds = array<i64: 1, 512, 64>}, {transform_indices = @transform_1, window_bounds = array<i64: 1, 2048, 64>}, {transform_indices = @transform_2, window_bounds = array<i64: 1, 2048, 64>}, {transform_indices = @transform_3, window_bounds = array<i64: 1, 512, 64>}]} {
    %get3A = arith.constant 0 : index
    %get3A_0 = arith.constant 0 : index
    %get3A_1 = arith.constant 0 : index
    %get3A_2 = vector.load %arg2[%get3A, %get3A_0, %get3A_1] : memref<1x512x64xbf16, #tpu.memory_space<vmem>>, vector<1x512x64xbf16>
    %get3A_3 = vector.shape_cast %get3A_2 : vector<1x512x64xbf16> to vector<512x64xbf16>
    %mul3A = arith.constant 1.250000e-01 : bf16
    %mul3A_4 = vector.broadcast %mul3A : bf16 to vector<512x64xbf16>
    %mul3A_5 = arith.mulf %get3A_3, %mul3A_4 : vector<512x64xbf16>
    %mul3A_6 = arith.constant 512 : i32
    %mul3A_7 = arith.muli %arg1, %mul3A_6 : i32
    %iota3A = tpu.iota {dimensions = array<i32: 0>} : vector<512x512xi32>
    %add3A = vector.broadcast %mul3A_7 : i32 to vector<512x512xi32>
    %add3A_8 = arith.addi %add3A, %iota3A : vector<512x512xi32>
    %broadcast_in_dim3A = arith.constant -1.000000e+30 : f32
    %broadcast_in_dim3A_9 = vector.broadcast %broadcast_in_dim3A : f32 to vector<512x1xf32>
    %broadcast_in_dim3A_10 = arith.constant 0.000000e+00 : f32
    %broadcast_in_dim3A_11 = vector.broadcast %broadcast_in_dim3A_10 : f32 to vector<512x1xf32>
    %broadcast_in_dim3A_12 = arith.constant 0.000000e+00 : f32
    %broadcast_in_dim3A_13 = vector.broadcast %broadcast_in_dim3A_12 : f32 to vector<512x64xf32>
    %add3A_14 = arith.constant 1 : i32
    %add3A_15 = arith.addi %arg1, %add3A_14 : i32
    %while3A = arith.constant 0 : i32
    %while3A_16 = arith.subi %add3A_15, %while3A : i32
    %while3A_17 = arith.addi %while3A, %while3A_16 : i32
    %while3A_18 = arith.constant 1 : i32
    %while3A_19 = arith.divsi %while3A_16, %while3A_18 : i32
    %while3A_20 = arith.muli %while3A_19, %while3A_18 : i32
    %while3A_21 = arith.addi %while3A, %while3A_20 : i32
    %while3A_22 = arith.constant 1 : i32
    %while3A_23:3 = scf.for %while3A_32 = %while3A to %while3A_21 step %while3A_22 iter_args(%while3A_33 = %broadcast_in_dim3A_9, %while3A_34 = %broadcast_in_dim3A_11, %while3A_35 = %broadcast_in_dim3A_13) -> (vector<512x1xf32>, vector<512x1xf32>, vector<512x64xf32>)  : i32 {
      %mul3A_36 = arith.constant 512 : i32
      %mul3A_37 = arith.muli %while3A_32, %mul3A_36 : i32
      %get3A_38 = arith.constant 0 : index
      %get3A_39 = arith.index_cast %mul3A_37 : i32 to index
      %get3A_40 = arith.constant 0 : index
      %get3A_41 = vector.load %arg3[%get3A_38, %get3A_39, %get3A_40] : memref<1x2048x64xbf16, #tpu.memory_space<vmem>>, vector<1x512x64xbf16>
      %get3A_42 = vector.shape_cast %get3A_41 : vector<1x512x64xbf16> to vector<512x64xbf16>
      %mul3A_43 = arith.constant 512 : i32
      %mul3A_44 = arith.muli %while3A_32, %mul3A_43 : i32
      %get3A_45 = arith.constant 0 : index
      %get3A_46 = arith.index_cast %mul3A_44 : i32 to index
      %get3A_47 = arith.constant 0 : index
      %get3A_48 = vector.load %arg4[%get3A_45, %get3A_46, %get3A_47] : memref<1x2048x64xbf16, #tpu.memory_space<vmem>>, vector<1x512x64xbf16>
      %get3A_49 = vector.shape_cast %get3A_48 : vector<1x512x64xbf16> to vector<512x64xbf16>
      %dot_general3A = arith.constant dense<0.000000e+00> : vector<512x512xf32>
      %dot_general3A_50 = tpu.matmul %mul3A_5, %get3A_42, %dot_general3A {dimension_numbers = #tpu.dot_dimension_numbers<[1], [1], [0], [0], [0, 0, 1, 0], [], []>, transpose_lhs_hint = false} : vector<512x64xbf16>, vector<512x64xbf16>, vector<512x512xf32> -> vector<512x512xf32>
      %mul3A_51 = arith.constant 512 : i32
      %mul3A_52 = arith.muli %while3A_32, %mul3A_51 : i32
      %iota3A_53 = tpu.iota {dimensions = array<i32: 1>} : vector<512x512xi32>
      %add3A_54 = vector.broadcast %mul3A_52 : i32 to vector<512x512xi32>
      %add3A_55 = arith.addi %add3A_54, %iota3A_53 : vector<512x512xi32>
      %le3A = arith.cmpi sle, %add3A_55, %add3A_8 : vector<512x512xi32>
      %jit3A = arith.constant -1.000000e+30 : f32
      %broadcast_in_dim3A_56 = vector.broadcast %jit3A : f32 to vector<512x512xf32>
      %select_n3A = arith.select %le3A, %dot_general3A_50, %broadcast_in_dim3A_56 : vector<512x512xi1>, vector<512x512xf32>
      %reduce_max3A = arith.constant dense<0xFF800000> : vector<512xf32>
      %reduce_max3A_57 = vector.multi_reduction <maximumf>, %select_n3A, %reduce_max3A [1] : vector<512x512xf32> to vector<512xf32>
      %broadcast_in_dim3A_58 = vector.shape_cast %reduce_max3A_57 : vector<512xf32> to vector<512x1xf32>
      %max3A = arith.maximumf %while3A_33, %broadcast_in_dim3A_58 : vector<512x1xf32>
      %sub3A = vector.broadcast %max3A : vector<512x1xf32> to vector<512x512xf32>
      %sub3A_59 = arith.subf %select_n3A, %sub3A : vector<512x512xf32>
      %exp3A = math.exp %sub3A_59 : vector<512x512xf32>
      %sub3A_60 = arith.subf %while3A_33, %max3A : vector<512x1xf32>
      %exp3A_61 = math.exp %sub3A_60 : vector<512x1xf32>
      %mul3A_62 = arith.mulf %while3A_34, %exp3A_61 : vector<512x1xf32>
      %reduce_sum3A = arith.constant dense<0.000000e+00> : vector<512xf32>
      %reduce_sum3A_63 = vector.multi_reduction <add>, %exp3A, %reduce_sum3A [1] : vector<512x512xf32> to vector<512xf32>
      %broadcast_in_dim3A_64 = vector.shape_cast %reduce_sum3A_63 : vector<512xf32> to vector<512x1xf32>
      %add3A_65 = arith.addf %mul3A_62, %broadcast_in_dim3A_64 : vector<512x1xf32>
      %mul3A_66 = vector.broadcast %exp3A_61 : vector<512x1xf32> to vector<512x64xf32>
      %mul3A_67 = arith.mulf %while3A_35, %mul3A_66 : vector<512x64xf32>
      %convert_element_type3A_68 = arith.truncf %exp3A : vector<512x512xf32> to vector<512x512xbf16>
      %dot_general3A_69 = arith.constant dense<0.000000e+00> : vector<512x64xf32>
      %dot_general3A_70 = tpu.matmul %convert_element_type3A_68, %get3A_49, %dot_general3A_69 {dimension_numbers = #tpu.dot_dimension_numbers<[1], [0], [0], [1], [0, 0, 1, 1], [], []>, transpose_lhs_hint = false} : vector<512x512xbf16>, vector<512x64xbf16>, vector<512x64xf32> -> vector<512x64xf32>
      %add3A_71 = arith.addf %mul3A_67, %dot_general3A_70 : vector<512x64xf32>
      scf.yield %max3A, %add3A_65, %add3A_71 : vector<512x1xf32>, vector<512x1xf32>, vector<512x64xf32>
    }
    %while3A_24 = arith.constant 1 : i32
    %while3A_25:3 = scf.for %while3A_32 = %while3A_21 to %while3A_17 step %while3A_24 iter_args(%while3A_33 = %while3A_23#0, %while3A_34 = %while3A_23#1, %while3A_35 = %while3A_23#2) -> (vector<512x1xf32>, vector<512x1xf32>, vector<512x64xf32>)  : i32 {
      %mul3A_36 = arith.constant 512 : i32
      %mul3A_37 = arith.muli %while3A_32, %mul3A_36 : i32
      %get3A_38 = arith.constant 0 : index
      %get3A_39 = arith.index_cast %mul3A_37 : i32 to index
      %get3A_40 = arith.constant 0 : index
      %get3A_41 = vector.load %arg3[%get3A_38, %get3A_39, %get3A_40] : memref<1x2048x64xbf16, #tpu.memory_space<vmem>>, vector<1x512x64xbf16>
      %get3A_42 = vector.shape_cast %get3A_41 : vector<1x512x64xbf16> to vector<512x64xbf16>
      %mul3A_43 = arith.constant 512 : i32
      %mul3A_44 = arith.muli %while3A_32, %mul3A_43 : i32
      %get3A_45 = arith.constant 0 : index
      %get3A_46 = arith.index_cast %mul3A_44 : i32 to index
      %get3A_47 = arith.constant 0 : index
      %get3A_48 = vector.load %arg4[%get3A_45, %get3A_46, %get3A_47] : memref<1x2048x64xbf16, #tpu.memory_space<vmem>>, vector<1x512x64xbf16>
      %get3A_49 = vector.shape_cast %get3A_48 : vector<1x512x64xbf16> to vector<512x64xbf16>
      %dot_general3A = arith.constant dense<0.000000e+00> : vector<512x512xf32>
      %dot_general3A_50 = tpu.matmul %mul3A_5, %get3A_42, %dot_general3A {dimension_numbers = #tpu.dot_dimension_numbers<[1], [1], [0], [0], [0, 0, 1, 0], [], []>, transpose_lhs_hint = false} : vector<512x64xbf16>, vector<512x64xbf16>, vector<512x512xf32> -> vector<512x512xf32>
      %mul3A_51 = arith.constant 512 : i32
      %mul3A_52 = arith.muli %while3A_32, %mul3A_51 : i32
      %iota3A_53 = tpu.iota {dimensions = array<i32: 1>} : vector<512x512xi32>
      %add3A_54 = vector.broadcast %mul3A_52 : i32 to vector<512x512xi32>
      %add3A_55 = arith.addi %add3A_54, %iota3A_53 : vector<512x512xi32>
      %le3A = arith.cmpi sle, %add3A_55, %add3A_8 : vector<512x512xi32>
      %jit3A = arith.constant -1.000000e+30 : f32
      %broadcast_in_dim3A_56 = vector.broadcast %jit3A : f32 to vector<512x512xf32>
      %select_n3A = arith.select %le3A, %dot_general3A_50, %broadcast_in_dim3A_56 : vector<512x512xi1>, vector<512x512xf32>
      %reduce_max3A = arith.constant dense<0xFF800000> : vector<512xf32>
      %reduce_max3A_57 = vector.multi_reduction <maximumf>, %select_n3A, %reduce_max3A [1] : vector<512x512xf32> to vector<512xf32>
      %broadcast_in_dim3A_58 = vector.shape_cast %reduce_max3A_57 : vector<512xf32> to vector<512x1xf32>
      %max3A = arith.maximumf %while3A_33, %broadcast_in_dim3A_58 : vector<512x1xf32>
      %sub3A = vector.broadcast %max3A : vector<512x1xf32> to vector<512x512xf32>
      %sub3A_59 = arith.subf %select_n3A, %sub3A : vector<512x512xf32>
      %exp3A = math.exp %sub3A_59 : vector<512x512xf32>
      %sub3A_60 = arith.subf %while3A_33, %max3A : vector<512x1xf32>
      %exp3A_61 = math.exp %sub3A_60 : vector<512x1xf32>
      %mul3A_62 = arith.mulf %while3A_34, %exp3A_61 : vector<512x1xf32>
      %reduce_sum3A = arith.constant dense<0.000000e+00> : vector<512xf32>
      %reduce_sum3A_63 = vector.multi_reduction <add>, %exp3A, %reduce_sum3A [1] : vector<512x512xf32> to vector<512xf32>
      %broadcast_in_dim3A_64 = vector.shape_cast %reduce_sum3A_63 : vector<512xf32> to vector<512x1xf32>
      %add3A_65 = arith.addf %mul3A_62, %broadcast_in_dim3A_64 : vector<512x1xf32>
      %mul3A_66 = vector.broadcast %exp3A_61 : vector<512x1xf32> to vector<512x64xf32>
      %mul3A_67 = arith.mulf %while3A_35, %mul3A_66 : vector<512x64xf32>
      %convert_element_type3A_68 = arith.truncf %exp3A : vector<512x512xf32> to vector<512x512xbf16>
      %dot_general3A_69 = arith.constant dense<0.000000e+00> : vector<512x64xf32>
      %dot_general3A_70 = tpu.matmul %convert_element_type3A_68, %get3A_49, %dot_general3A_69 {dimension_numbers = #tpu.dot_dimension_numbers<[1], [0], [0], [1], [0, 0, 1, 1], [], []>, transpose_lhs_hint = false} : vector<512x512xbf16>, vector<512x64xbf16>, vector<512x64xf32> -> vector<512x64xf32>
      %add3A_71 = arith.addf %mul3A_67, %dot_general3A_70 : vector<512x64xf32>
      scf.yield %max3A, %add3A_65, %add3A_71 : vector<512x1xf32>, vector<512x1xf32>, vector<512x64xf32>
    }
    %div3A = vector.broadcast %while3A_25#1 : vector<512x1xf32> to vector<512x64xf32>
    %div3A_26 = arith.divf %while3A_25#2, %div3A : vector<512x64xf32>
    %convert_element_type3A = arith.truncf %div3A_26 : vector<512x64xf32> to vector<512x64xbf16>
    %swap3A = arith.constant 0 : index
    %swap3A_27 = arith.constant 0 : index
    %swap3A_28 = arith.constant 0 : index
    %swap3A_29 = vector.load %arg5[%swap3A, %swap3A_27, %swap3A_28] : memref<1x512x64xbf16, #tpu.memory_space<vmem>>, vector<1x512x64xbf16>
    %swap3A_30 = vector.shape_cast %swap3A_29 : vector<1x512x64xbf16> to vector<512x64xbf16>
    %swap3A_31 = vector.shape_cast %convert_element_type3A : vector<512x64xbf16> to vector<1x512x64xbf16>
    tpu.vector_store %arg5[%swap3A, %swap3A_27, %swap3A_28], %swap3A_31 {strides = array<i32>} : memref<1x512x64xbf16, #tpu.memory_space<vmem>>, vector<1x512x64xbf16>,
    return
  }
  func.func @transform_0(%arg0: i32, %arg1: i32) -> (i32, i32, i32) {
    %c0_i32 = arith.constant 0 : i32
    %c0_i32_0 = arith.constant 0 : i32
    return %arg0, %arg1, %c0_i32 : i32, i32, i32
  }
  func.func @transform_1(%arg0: i32, %arg1: i32) -> (i32, i32, i32) {
    %c0_i32 = arith.constant 0 : i32
    %c0_i32_0 = arith.constant 0 : i32
    %c0_i32_1 = arith.constant 0 : i32
    return %arg0, %c0_i32, %c0_i32_0 : i32, i32, i32
  }
  func.func @transform_2(%arg0: i32, %arg1: i32) -> (i32, i32, i32) {
    %c0_i32 = arith.constant 0 : i32
    %c0_i32_0 = arith.constant 0 : i32
    %c0_i32_1 = arith.constant 0 : i32
    return %arg0, %c0_i32, %c0_i32_0 : i32, i32, i32
  }
  func.func @transform_3(%arg0: i32, %arg1: i32) -> (i32, i32, i32) {
    %c0_i32 = arith.constant 0 : i32
    %c0_i32_0 = arith.constant 0 : i32
    return %arg0, %arg1, %c0_i32 : i32, i32, i32
  }
}

module attributes {stable_mosaic.version = 14 : i64} {
  func.func @_post_router_body(%arg0: i32, %arg1: memref<512x768xf32, #tpu.memory_space<vmem>>, %arg2: memref<512x768xbf16, #tpu.memory_space<vmem>>, %arg3: memref<768x768xbf16, #tpu.memory_space<vmem>>, %arg4: memref<1x768xf32, #tpu.memory_space<vmem>>, %arg5: memref<768x128xf32, #tpu.memory_space<vmem>>, %arg6: memref<512x768xf32, #tpu.memory_space<vmem>>, %arg7: memref<512x768xbf16, #tpu.memory_space<vmem>>, %arg8: memref<512x128xf32, #tpu.memory_space<vmem>>, %arg9: memref<512x128xf32, #tpu.memory_space<vmem>>) attributes {dimension_semantics = [#tpu.dimension_semantics<arbitrary>], iteration_bounds = array<i64: 4>, scalar_prefetch = 0 : i64, scratch_operands = 0 : i64, tpu.core_type = #tpu.core_type<tc>, window_params = [{transform_indices = @transform_0, window_bounds = array<i64: 512, 768>}, {transform_indices = @transform_1, window_bounds = array<i64: 512, 768>}, {pipeline_mode = #tpu.pipeline_mode<synchronous>, transform_indices = @transform_2, window_bounds = array<i64: 768, 768>}, {pipeline_mode = #tpu.pipeline_mode<synchronous>, transform_indices = @transform_3, window_bounds = array<i64: 1, 768>}, {pipeline_mode = #tpu.pipeline_mode<synchronous>, transform_indices = @transform_4, window_bounds = array<i64: 768, 128>}, {transform_indices = @transform_5, window_bounds = array<i64: 512, 768>}, {transform_indices = @transform_6, window_bounds = array<i64: 512, 768>}, {transform_indices = @transform_7, window_bounds = array<i64: 512, 128>}, {transform_indices = @transform_8, window_bounds = array<i64: 512, 128>}]} {
    %get3A = arith.constant 0 : index
    %get3A_0 = arith.constant 0 : index
    %get3A_1 = vector.load %arg1[%get3A, %get3A_0] : memref<512x768xf32, #tpu.memory_space<vmem>>, vector<512x768xf32>
    %get3A_2 = arith.constant 0 : index
    %get3A_3 = arith.constant 0 : index
    %get3A_4 = vector.load %arg2[%get3A_2, %get3A_3] : memref<512x768xbf16, #tpu.memory_space<vmem>>, vector<512x768xbf16>
    %get3A_5 = arith.constant 0 : index
    %get3A_6 = arith.constant 0 : index
    %get3A_7 = vector.load %arg3[%get3A_5, %get3A_6] : memref<768x768xbf16, #tpu.memory_space<vmem>>, vector<768x768xbf16>
    %dot_general3A = arith.constant dense<0.000000e+00> : vector<512x768xf32>
    %dot_general3A_8 = tpu.matmul %get3A_4, %get3A_7, %dot_general3A {dimension_numbers = #tpu.dot_dimension_numbers<[1], [0], [0], [1], [0, 0, 1, 1], [], []>, transpose_lhs_hint = false} : vector<512x768xbf16>, vector<768x768xbf16>, vector<512x768xf32> -> vector<512x768xf32>
    %add3A = arith.addf %get3A_1, %dot_general3A_8 : vector<512x768xf32>
    %swap3A = arith.constant 0 : index
    %swap3A_9 = arith.constant 0 : index
    %swap3A_10 = vector.load %arg6[%swap3A, %swap3A_9] : memref<512x768xf32, #tpu.memory_space<vmem>>, vector<512x768xf32>
    tpu.vector_store %arg6[%swap3A, %swap3A_9], %add3A {strides = array<i32>} : memref<512x768xf32, #tpu.memory_space<vmem>>, vector<512x768xf32>,
    %get3A_11 = arith.constant 0 : index
    %get3A_12 = arith.constant 0 : index
    %get3A_13 = vector.load %arg4[%get3A_11, %get3A_12] : memref<1x768xf32, #tpu.memory_space<vmem>>, vector<1x768xf32>
    %mul3A = arith.mulf %add3A, %add3A : vector<512x768xf32>
    %reduce_sum3A = arith.constant dense<0.000000e+00> : vector<512xf32>
    %reduce_sum3A_14 = vector.multi_reduction <add>, %mul3A, %reduce_sum3A [1] : vector<512x768xf32> to vector<512xf32>
    %broadcast_in_dim3A = vector.shape_cast %reduce_sum3A_14 : vector<512xf32> to vector<512x1xf32>
    %div3A = arith.constant 7.680000e+02 : f32
    %div3A_15 = vector.broadcast %div3A : f32 to vector<512x1xf32>
    %div3A_16 = arith.divf %broadcast_in_dim3A, %div3A_15 : vector<512x1xf32>
    %add3A_17 = arith.constant 9.99999997E-7 : f32
    %add3A_18 = vector.broadcast %add3A_17 : f32 to vector<512x1xf32>
    %add3A_19 = arith.addf %div3A_16, %add3A_18 : vector<512x1xf32>
    %rsqrt3A = math.rsqrt %add3A_19 : vector<512x1xf32>
    %mul3A_20 = vector.broadcast %rsqrt3A : vector<512x1xf32> to vector<512x768xf32>
    %mul3A_21 = arith.mulf %add3A, %mul3A_20 : vector<512x768xf32>
    %mul3A_22 = vector.broadcast %get3A_13 : vector<1x768xf32> to vector<512x768xf32>
    %mul3A_23 = arith.mulf %mul3A_21, %mul3A_22 : vector<512x768xf32>
    %convert_element_type3A = arith.truncf %mul3A_23 : vector<512x768xf32> to vector<512x768xbf16>
    %swap3A_24 = arith.constant 0 : index
    %swap3A_25 = arith.constant 0 : index
    %swap3A_26 = vector.load %arg7[%swap3A_24, %swap3A_25] : memref<512x768xbf16, #tpu.memory_space<vmem>>, vector<512x768xbf16>
    tpu.vector_store %arg7[%swap3A_24, %swap3A_25], %convert_element_type3A {strides = array<i32>} : memref<512x768xbf16, #tpu.memory_space<vmem>>, vector<512x768xbf16>,
    %get3A_27 = arith.constant 0 : index
    %get3A_28 = arith.constant 0 : index
    %get3A_29 = vector.load %arg5[%get3A_27, %get3A_28] : memref<768x128xf32, #tpu.memory_space<vmem>>, vector<768x128xf32>
    %dot_general3A_30 = arith.constant dense<0.000000e+00> : vector<512x128xf32>
    %dot_general3A_31 = tpu.matmul %mul3A_23, %get3A_29, %dot_general3A_30 {dimension_numbers = #tpu.dot_dimension_numbers<[1], [0], [0], [1], [0, 0, 1, 1], [], []>, transpose_lhs_hint = false} : vector<512x768xf32>, vector<768x128xf32>, vector<512x128xf32> -> vector<512x128xf32>
    %iota3A = tpu.iota {dimensions = array<i32: 1>} : vector<512x128xi32>
    %lt3A = arith.constant 8 : i32
    %lt3A_32 = vector.broadcast %lt3A : i32 to vector<512x128xi32>
    %lt3A_33 = arith.cmpi slt, %iota3A, %lt3A_32 : vector<512x128xi32>
    %jit3A = arith.constant -1.000000e+30 : f32
    %broadcast_in_dim3A_34 = vector.broadcast %jit3A : f32 to vector<512x128xf32>
    %select_n3A = arith.select %lt3A_33, %dot_general3A_31, %broadcast_in_dim3A_34 : vector<512x128xi1>, vector<512x128xf32>
    %reduce_max3A = arith.constant dense<0xFF800000> : vector<512xf32>
    %reduce_max3A_35 = vector.multi_reduction <maximumf>, %select_n3A, %reduce_max3A [1] : vector<512x128xf32> to vector<512xf32>
    %broadcast_in_dim3A_36 = vector.shape_cast %reduce_max3A_35 : vector<512xf32> to vector<512x1xf32>
    %sub3A = vector.broadcast %broadcast_in_dim3A_36 : vector<512x1xf32> to vector<512x128xf32>
    %sub3A_37 = arith.subf %select_n3A, %sub3A : vector<512x128xf32>
    %exp3A = math.exp %sub3A_37 : vector<512x128xf32>
    %reduce_sum3A_38 = arith.constant dense<0.000000e+00> : vector<512xf32>
    %reduce_sum3A_39 = vector.multi_reduction <add>, %exp3A, %reduce_sum3A_38 [1] : vector<512x128xf32> to vector<512xf32>
    %broadcast_in_dim3A_40 = vector.shape_cast %reduce_sum3A_39 : vector<512xf32> to vector<512x1xf32>
    %div3A_41 = vector.broadcast %broadcast_in_dim3A_40 : vector<512x1xf32> to vector<512x128xf32>
    %div3A_42 = arith.divf %exp3A, %div3A_41 : vector<512x128xf32>
    %swap3A_43 = arith.constant 0 : index
    %swap3A_44 = arith.constant 0 : index
    %swap3A_45 = vector.load %arg9[%swap3A_43, %swap3A_44] : memref<512x128xf32, #tpu.memory_space<vmem>>, vector<512x128xf32>
    tpu.vector_store %arg9[%swap3A_43, %swap3A_44], %div3A_42 {strides = array<i32>} : memref<512x128xf32, #tpu.memory_space<vmem>>, vector<512x128xf32>,
    %reduce_max3A_46 = arith.constant dense<0xFF800000> : vector<512xf32>
    %reduce_max3A_47 = vector.multi_reduction <maximumf>, %div3A_42, %reduce_max3A_46 [1] : vector<512x128xf32> to vector<512xf32>
    %broadcast_in_dim3A_48 = vector.shape_cast %reduce_max3A_47 : vector<512xf32> to vector<512x1xf32>
    %eq3A = vector.broadcast %broadcast_in_dim3A_48 : vector<512x1xf32> to vector<512x128xf32>
    %eq3A_49 = arith.cmpf oeq, %div3A_42, %eq3A : vector<512x128xf32>
    %lt3A_50 = arith.constant 8 : i32
    %lt3A_51 = vector.broadcast %lt3A_50 : i32 to vector<512x128xi32>
    %lt3A_52 = arith.cmpi slt, %iota3A, %lt3A_51 : vector<512x128xi32>
    %and3A = arith.andi %eq3A_49, %lt3A_52 : vector<512x128xi1>
    %jit3A_53 = arith.constant 128 : i32
    %broadcast_in_dim3A_54 = vector.broadcast %jit3A_53 : i32 to vector<512x128xi32>
    %select_n3A_55 = arith.select %and3A, %iota3A, %broadcast_in_dim3A_54 : vector<512x128xi1>, vector<512x128xi32>
    %reduce_min3A = arith.constant dense<2147483647> : vector<512xi32>
    %reduce_min3A_56 = vector.multi_reduction <minsi>, %select_n3A_55, %reduce_min3A [1] : vector<512x128xi32> to vector<512xi32>
    %broadcast_in_dim3A_57 = vector.shape_cast %reduce_min3A_56 : vector<512xi32> to vector<512x1xi32>
    %eq3A_58 = vector.broadcast %broadcast_in_dim3A_57 : vector<512x1xi32> to vector<512x128xi32>
    %eq3A_59 = arith.cmpi eq, %iota3A, %eq3A_58 : vector<512x128xi32>
    %ge3A = arith.constant 8 : i32
    %ge3A_60 = vector.broadcast %ge3A : i32 to vector<512x128xi32>
    %ge3A_61 = arith.cmpi sge, %iota3A, %ge3A_60 : vector<512x128xi32>
    %or3A = arith.ori %eq3A_59, %ge3A_61 : vector<512x128xi1>
    %jit3A_62 = arith.constant -1.000000e+30 : f32
    %broadcast_in_dim3A_63 = vector.broadcast %jit3A_62 : f32 to vector<512x128xf32>
    %select_n3A_64 = arith.select %or3A, %broadcast_in_dim3A_63, %div3A_42 : vector<512x128xi1>, vector<512x128xf32>
    %reduce_max3A_65 = arith.constant dense<0xFF800000> : vector<512xf32>
    %reduce_max3A_66 = vector.multi_reduction <maximumf>, %select_n3A_64, %reduce_max3A_65 [1] : vector<512x128xf32> to vector<512xf32>
    %broadcast_in_dim3A_67 = vector.shape_cast %reduce_max3A_66 : vector<512xf32> to vector<512x1xf32>
    %eq3A_68 = vector.broadcast %broadcast_in_dim3A_67 : vector<512x1xf32> to vector<512x128xf32>
    %eq3A_69 = arith.cmpf oeq, %select_n3A_64, %eq3A_68 : vector<512x128xf32>
    %lt3A_70 = arith.constant 8 : i32
    %lt3A_71 = vector.broadcast %lt3A_70 : i32 to vector<512x128xi32>
    %lt3A_72 = arith.cmpi slt, %iota3A, %lt3A_71 : vector<512x128xi32>
    %and3A_73 = arith.andi %eq3A_69, %lt3A_72 : vector<512x128xi1>
    %jit3A_74 = arith.constant 128 : i32
    %broadcast_in_dim3A_75 = vector.broadcast %jit3A_74 : i32 to vector<512x128xi32>
    %select_n3A_76 = arith.select %and3A_73, %iota3A, %broadcast_in_dim3A_75 : vector<512x128xi1>, vector<512x128xi32>
    %reduce_min3A_77 = arith.constant dense<2147483647> : vector<512xi32>
    %reduce_min3A_78 = vector.multi_reduction <minsi>, %select_n3A_76, %reduce_min3A_77 [1] : vector<512x128xi32> to vector<512xi32>
    %broadcast_in_dim3A_79 = vector.shape_cast %reduce_min3A_78 : vector<512xi32> to vector<512x1xi32>
    %add3A_80 = arith.addf %broadcast_in_dim3A_48, %broadcast_in_dim3A_67 : vector<512x1xf32>
    %eq3A_81 = vector.broadcast %broadcast_in_dim3A_57 : vector<512x1xi32> to vector<512x128xi32>
    %eq3A_82 = arith.cmpi eq, %iota3A, %eq3A_81 : vector<512x128xi32>
    %div3A_83 = arith.divf %broadcast_in_dim3A_48, %add3A_80 : vector<512x1xf32>
    %jit3A_84 = arith.constant 0.000000e+00 : f32
    %broadcast_in_dim3A_85 = vector.shape_cast %div3A_83 : vector<512x1xf32> to vector<512x1xf32>
    %broadcast_in_dim3A_86 = vector.broadcast %broadcast_in_dim3A_85 : vector<512x1xf32> to vector<512x128xf32>
    %broadcast_in_dim3A_87 = vector.broadcast %jit3A_84 : f32 to vector<512x128xf32>
    %select_n3A_88 = arith.select %eq3A_82, %broadcast_in_dim3A_86, %broadcast_in_dim3A_87 : vector<512x128xi1>, vector<512x128xf32>
    %eq3A_89 = vector.broadcast %broadcast_in_dim3A_79 : vector<512x1xi32> to vector<512x128xi32>
    %eq3A_90 = arith.cmpi eq, %iota3A, %eq3A_89 : vector<512x128xi32>
    %div3A_91 = arith.divf %broadcast_in_dim3A_67, %add3A_80 : vector<512x1xf32>
    %jit3A_92 = arith.constant 0.000000e+00 : f32
    %broadcast_in_dim3A_93 = vector.shape_cast %div3A_91 : vector<512x1xf32> to vector<512x1xf32>
    %broadcast_in_dim3A_94 = vector.broadcast %broadcast_in_dim3A_93 : vector<512x1xf32> to vector<512x128xf32>
    %broadcast_in_dim3A_95 = vector.broadcast %jit3A_92 : f32 to vector<512x128xf32>
    %select_n3A_96 = arith.select %eq3A_90, %broadcast_in_dim3A_94, %broadcast_in_dim3A_95 : vector<512x128xi1>, vector<512x128xf32>
    %add3A_97 = arith.addf %select_n3A_88, %select_n3A_96 : vector<512x128xf32>
    %slice3A = vector.extract_strided_slice %dot_general3A_31 {offsets = [0, 8], sizes = [512, 1], strides = [1, 1]} : vector<512x128xf32> to vector<512x1xf32>
    %logistic3A = arith.negf %slice3A : vector<512x1xf32>
    %logistic3A_98 = math.exp %logistic3A : vector<512x1xf32>
    %logistic3A_99 = arith.constant 1.000000e+00 : f32
    %logistic3A_100 = vector.broadcast %logistic3A_99 : f32 to vector<512x1xf32>
    %logistic3A_101 = arith.addf %logistic3A_100, %logistic3A_98 : vector<512x1xf32>
    %logistic3A_102 = arith.divf %logistic3A_100, %logistic3A_101 : vector<512x1xf32>
    %eq3A_103 = arith.constant 8 : i32
    %eq3A_104 = vector.broadcast %eq3A_103 : i32 to vector<512x128xi32>
    %eq3A_105 = arith.cmpi eq, %iota3A, %eq3A_104 : vector<512x128xi32>
    %jit3A_106 = arith.constant 0.000000e+00 : f32
    %broadcast_in_dim3A_107 = vector.shape_cast %logistic3A_102 : vector<512x1xf32> to vector<512x1xf32>
    %broadcast_in_dim3A_108 = vector.broadcast %broadcast_in_dim3A_107 : vector<512x1xf32> to vector<512x128xf32>
    %broadcast_in_dim3A_109 = vector.broadcast %jit3A_106 : f32 to vector<512x128xf32>
    %select_n3A_110 = arith.select %eq3A_105, %broadcast_in_dim3A_108, %broadcast_in_dim3A_109 : vector<512x128xi1>, vector<512x128xf32>
    %add3A_111 = arith.addf %add3A_97, %select_n3A_110 : vector<512x128xf32>
    %swap3A_112 = arith.constant 0 : index
    %swap3A_113 = arith.constant 0 : index
    %swap3A_114 = vector.load %arg8[%swap3A_112, %swap3A_113] : memref<512x128xf32, #tpu.memory_space<vmem>>, vector<512x128xf32>
    tpu.vector_store %arg8[%swap3A_112, %swap3A_113], %add3A_111 {strides = array<i32>} : memref<512x128xf32, #tpu.memory_space<vmem>>, vector<512x128xf32>,
    return
  }
  func.func @transform_0(%arg0: i32) -> (i32, i32) {
    %c0_i32 = arith.constant 0 : i32
    %c0_i32_0 = arith.constant 0 : i32
    return %arg0, %c0_i32 : i32, i32
  }
  func.func @transform_1(%arg0: i32) -> (i32, i32) {
    %c0_i32 = arith.constant 0 : i32
    %c0_i32_0 = arith.constant 0 : i32
    return %arg0, %c0_i32 : i32, i32
  }
  func.func @transform_2(%arg0: i32) -> (i32, i32) {
    %c0_i32 = arith.constant 0 : i32
    %c0_i32_0 = arith.constant 0 : i32
    %c0_i32_1 = arith.constant 0 : i32
    return %c0_i32, %c0_i32_0 : i32, i32
  }
  func.func @transform_3(%arg0: i32) -> (i32, i32) {
    %c0_i32 = arith.constant 0 : i32
    %c0_i32_0 = arith.constant 0 : i32
    %c0_i32_1 = arith.constant 0 : i32
    return %c0_i32, %c0_i32_0 : i32, i32
  }
  func.func @transform_4(%arg0: i32) -> (i32, i32) {
    %c0_i32 = arith.constant 0 : i32
    %c0_i32_0 = arith.constant 0 : i32
    %c0_i32_1 = arith.constant 0 : i32
    return %c0_i32, %c0_i32_0 : i32, i32
  }
  func.func @transform_5(%arg0: i32) -> (i32, i32) {
    %c0_i32 = arith.constant 0 : i32
    %c0_i32_0 = arith.constant 0 : i32
    return %arg0, %c0_i32 : i32, i32
  }
  func.func @transform_6(%arg0: i32) -> (i32, i32) {
    %c0_i32 = arith.constant 0 : i32
    %c0_i32_0 = arith.constant 0 : i32
    return %arg0, %c0_i32 : i32, i32
  }
  func.func @transform_7(%arg0: i32) -> (i32, i32) {
    %c0_i32 = arith.constant 0 : i32
    %c0_i32_0 = arith.constant 0 : i32
    return %arg0, %c0_i32 : i32, i32
  }
  func.func @transform_8(%arg0: i32) -> (i32, i32) {
    %c0_i32 = arith.constant 0 : i32
    %c0_i32_0 = arith.constant 0 : i32
    return %arg0, %c0_i32 : i32, i32
  }
}

module attributes {stable_mosaic.version = 14 : i64} {
  func.func @_route_body(%arg0: i32, %arg1: memref<256x128xf32, #tpu.memory_space<vmem>>, %arg2: memref<256x128xf32, #tpu.memory_space<vmem>>, %arg3: memref<1x128xi32, #tpu.memory_space<vmem>>, %arg4: memref<2048x128xf32, #tpu.memory_space<vmem>>, %arg5: memref<1x128xf32, #tpu.memory_space<vmem>>, %arg6: memref<1x128xf32, #tpu.memory_space<vmem>>) attributes {dimension_semantics = [#tpu.dimension_semantics<arbitrary>], iteration_bounds = array<i64: 16>, scalar_prefetch = 0 : i64, scratch_operands = 3 : i64, tpu.core_type = #tpu.core_type<tc>, window_params = [{transform_indices = @transform_0, window_bounds = array<i64: 256, 128>}, {transform_indices = @transform_1, window_bounds = array<i64: 256, 128>}, {pipeline_mode = #tpu.pipeline_mode<synchronous>, transform_indices = @transform_2, window_bounds = array<i64: 1, 128>}]} {
    %get3A = arith.constant 0 : index
    %get3A_0 = arith.constant 0 : index
    %get3A_1 = vector.load %arg1[%get3A, %get3A_0] : memref<256x128xf32, #tpu.memory_space<vmem>>, vector<256x128xf32>
    %iota3A = tpu.iota {dimensions = array<i32: 1>} : vector<256x128xi32>
    %eq3A = arith.constant 0 : i32
    %eq3A_2 = arith.cmpi eq, %arg0, %eq3A : i32
    %convert_element_type3A = arith.extui %eq3A_2 : i1 to i32
    %cond3A = arith.constant 0 : i32
    %cond3A_3 = arith.cmpi ne, %convert_element_type3A, %cond3A : i32
    scf.if %cond3A_3 {
      %broadcast_in_dim3A = arith.constant 0.000000e+00 : f32
      %broadcast_in_dim3A_17 = vector.broadcast %broadcast_in_dim3A : f32 to vector<1x128xf32>
      %swap3A = arith.constant 0 : index
      %swap3A_18 = arith.constant 0 : index
      %swap3A_19 = vector.load %arg5[%swap3A, %swap3A_18] : memref<1x128xf32, #tpu.memory_space<vmem>>, vector<1x128xf32>
      tpu.vector_store %arg5[%swap3A, %swap3A_18], %broadcast_in_dim3A_17 {strides = array<i32>} : memref<1x128xf32, #tpu.memory_space<vmem>>, vector<1x128xf32>,
    } else {
    }
    %lt3A = arith.constant 8 : i32
    %lt3A_4 = arith.cmpi slt, %arg0, %lt3A : i32
    %convert_element_type3A_5 = arith.extui %lt3A_4 : i1 to i32
    %cond3A_6 = arith.constant 0 : i32
    %cond3A_7 = arith.cmpi ne, %convert_element_type3A_5, %cond3A_6 : i32
    scf.if %cond3A_7 {
      %gt3A = arith.constant 0.000000e+00 : f32
      %gt3A_17 = vector.broadcast %gt3A : f32 to vector<256x128xf32>
      %gt3A_18 = arith.cmpf ogt, %get3A_1, %gt3A_17 : vector<256x128xf32>
      %lt3A_19 = arith.constant 8 : i32
      %lt3A_20 = vector.broadcast %lt3A_19 : i32 to vector<256x128xi32>
      %lt3A_21 = arith.cmpi slt, %iota3A, %lt3A_20 : vector<256x128xi32>
      %and3A = arith.andi %gt3A_18, %lt3A_21 : vector<256x128xi1>
      %convert_element_type3A_22 = arith.extui %and3A : vector<256x128xi1> to vector<256x128xi32>
      %convert_element_type3A_23 = arith.sitofp %convert_element_type3A_22 : vector<256x128xi32> to vector<256x128xf32>
      %iota3A_24 = tpu.iota {dimensions = array<i32: 0>} : vector<256x256xi32>
      %iota3A_25 = tpu.iota {dimensions = array<i32: 1>} : vector<256x256xi32>
      %gt3A_26 = arith.cmpi sgt, %iota3A_24, %iota3A_25 : vector<256x256xi32>
      %convert_element_type3A_27 = arith.extui %gt3A_26 : vector<256x256xi1> to vector<256x256xi32>
      %convert_element_type3A_28 = arith.sitofp %convert_element_type3A_27 : vector<256x256xi32> to vector<256x256xf32>
      %dot_general3A = arith.constant dense<0.000000e+00> : vector<256x128xf32>
      %dot_general3A_29 = tpu.matmul %convert_element_type3A_28, %convert_element_type3A_23, %dot_general3A {dimension_numbers = #tpu.dot_dimension_numbers<[1], [0], [0], [1], [0, 0, 1, 1], [], []>, transpose_lhs_hint = false} : vector<256x256xf32>, vector<256x128xf32>, vector<256x128xf32> -> vector<256x128xf32>
      %get3A_30 = arith.constant 0 : index
      %get3A_31 = arith.constant 0 : index
      %get3A_32 = vector.load %arg5[%get3A_30, %get3A_31] : memref<1x128xf32, #tpu.memory_space<vmem>>, vector<1x128xf32>
      %add3A = vector.broadcast %get3A_32 : vector<1x128xf32> to vector<256x128xf32>
      %add3A_33 = arith.addf %dot_general3A_29, %add3A : vector<256x128xf32>
      %mul3A = arith.constant 256 : i32
      %mul3A_34 = arith.muli %arg0, %mul3A : i32
      %swap3A = arith.index_cast %mul3A_34 : i32 to index
      %swap3A_35 = arith.constant 0 : index
      %swap3A_36 = vector.load %arg4[%swap3A, %swap3A_35] : memref<2048x128xf32, #tpu.memory_space<vmem>>, vector<256x128xf32>
      tpu.vector_store %arg4[%swap3A, %swap3A_35], %add3A_33 {strides = array<i32>} : memref<2048x128xf32, #tpu.memory_space<vmem>>, vector<256x128xf32>,
      %get3A_37 = arith.constant 0 : index
      %get3A_38 = arith.constant 0 : index
      %get3A_39 = vector.load %arg5[%get3A_37, %get3A_38] : memref<1x128xf32, #tpu.memory_space<vmem>>, vector<1x128xf32>
      %reduce_sum3A = arith.constant dense<0.000000e+00> : vector<128xf32>
      %reduce_sum3A_40 = vector.multi_reduction <add>, %convert_element_type3A_23, %reduce_sum3A [0] : vector<256x128xf32> to vector<128xf32>
      %broadcast_in_dim3A = vector.shape_cast %reduce_sum3A_40 : vector<128xf32> to vector<1x128xf32>
      %add3A_41 = arith.addf %get3A_39, %broadcast_in_dim3A : vector<1x128xf32>
      %swap3A_42 = arith.constant 0 : index
      %swap3A_43 = arith.constant 0 : index
      %swap3A_44 = vector.load %arg5[%swap3A_42, %swap3A_43] : memref<1x128xf32, #tpu.memory_space<vmem>>, vector<1x128xf32>
      tpu.vector_store %arg5[%swap3A_42, %swap3A_43], %add3A_41 {strides = array<i32>} : memref<1x128xf32, #tpu.memory_space<vmem>>, vector<1x128xf32>,
    } else {
    }
    %eq3A_8 = arith.constant 8 : i32
    %eq3A_9 = arith.cmpi eq, %arg0, %eq3A_8 : i32
    %convert_element_type3A_10 = arith.extui %eq3A_9 : i1 to i32
    %cond3A_11 = arith.constant 0 : i32
    %cond3A_12 = arith.cmpi ne, %convert_element_type3A_10, %cond3A_11 : i32
    scf.if %cond3A_12 {
      %get3A_17 = arith.constant 0 : index
      %get3A_18 = arith.constant 0 : index
      %get3A_19 = vector.load %arg5[%get3A_17, %get3A_18] : memref<1x128xf32, #tpu.memory_space<vmem>>, vector<1x128xf32>
      %add3A = arith.constant 2.550000e+02 : f32
      %add3A_20 = vector.broadcast %add3A : f32 to vector<1x128xf32>
      %add3A_21 = arith.addf %get3A_19, %add3A_20 : vector<1x128xf32>
      %mul3A = arith.constant 3.906250e-03 : f32
      %mul3A_22 = vector.broadcast %mul3A : f32 to vector<1x128xf32>
      %mul3A_23 = arith.mulf %add3A_21, %mul3A_22 : vector<1x128xf32>
      %floor3A = math.floor %mul3A_23 : vector<1x128xf32>
      %mul3A_24 = arith.constant 2.560000e+02 : f32
      %mul3A_25 = vector.broadcast %mul3A_24 : f32 to vector<1x128xf32>
      %mul3A_26 = arith.mulf %floor3A, %mul3A_25 : vector<1x128xf32>
      %iota3A_27 = tpu.iota {dimensions = array<i32: 0>} : vector<128x128xi32>
      %iota3A_28 = tpu.iota {dimensions = array<i32: 1>} : vector<128x128xi32>
      %lt3A_29 = arith.cmpi slt, %iota3A_27, %iota3A_28 : vector<128x128xi32>
      %convert_element_type3A_30 = arith.extui %lt3A_29 : vector<128x128xi1> to vector<128x128xi32>
      %convert_element_type3A_31 = arith.sitofp %convert_element_type3A_30 : vector<128x128xi32> to vector<128x128xf32>
      %dot_general3A = arith.constant dense<0.000000e+00> : vector<1x128xf32>
      %dot_general3A_32 = tpu.matmul %mul3A_26, %convert_element_type3A_31, %dot_general3A {dimension_numbers = #tpu.dot_dimension_numbers<[1], [0], [0], [1], [0, 0, 1, 1], [], []>, transpose_lhs_hint = false} : vector<1x128xf32>, vector<128x128xf32>, vector<1x128xf32> -> vector<1x128xf32>
      %swap3A = arith.constant 0 : index
      %swap3A_33 = arith.constant 0 : index
      %swap3A_34 = vector.load %arg6[%swap3A, %swap3A_33] : memref<1x128xf32, #tpu.memory_space<vmem>>, vector<1x128xf32>
      tpu.vector_store %arg6[%swap3A, %swap3A_33], %dot_general3A_32 {strides = array<i32>} : memref<1x128xf32, #tpu.memory_space<vmem>>, vector<1x128xf32>,
      %iota3A_35 = tpu.iota {dimensions = array<i32: 1>} : vector<1x128xi32>
      %get3A_36 = arith.constant 0 : index
      %get3A_37 = arith.constant 0 : index
      %get3A_38 = vector.load %arg6[%get3A_36, %get3A_37] : memref<1x128xf32, #tpu.memory_space<vmem>>, vector<1x128xf32>
      %add3A_39 = arith.addf %get3A_38, %mul3A_26 : vector<1x128xf32>
      %broadcast_in_dim3A = arith.constant 0.000000e+00 : f32
      %broadcast_in_dim3A_40 = vector.broadcast %broadcast_in_dim3A : f32 to vector<1x128xf32>
      %eq3A_41 = arith.constant 0 : i32
      %eq3A_42 = vector.broadcast %eq3A_41 : i32 to vector<1x128xi32>
      %eq3A_43 = arith.cmpi eq, %iota3A_35, %eq3A_42 : vector<1x128xi32>
      %jit3A = arith.constant 0.000000e+00 : f32
      %broadcast_in_dim3A_44 = vector.broadcast %jit3A : f32 to vector<1x128xf32>
      %select_n3A = arith.select %eq3A_43, %add3A_39, %broadcast_in_dim3A_44 : vector<1x128xi1>, vector<1x128xf32>
      %reduce_sum3A = arith.constant dense<0.000000e+00> : vector<1xf32>
      %reduce_sum3A_45 = vector.multi_reduction <add>, %select_n3A, %reduce_sum3A [1] : vector<1x128xf32> to vector<1xf32>
      %broadcast_in_dim3A_46 = vector.shape_cast %reduce_sum3A_45 : vector<1xf32> to vector<1x1xf32>
      %convert_element_type3A_47 = arith.sitofp %iota3A_35 : vector<1x128xi32> to vector<1x128xf32>
      %mul3A_48 = arith.constant 2.560000e+02 : f32
      %mul3A_49 = vector.broadcast %mul3A_48 : f32 to vector<1x128xf32>
      %mul3A_50 = arith.mulf %convert_element_type3A_47, %mul3A_49 : vector<1x128xf32>
      %ge3A_51 = vector.broadcast %broadcast_in_dim3A_46 : vector<1x1xf32> to vector<1x128xf32>
      %ge3A_52 = arith.cmpf oge, %mul3A_50, %ge3A_51 : vector<1x128xf32>
      %convert_element_type3A_53 = arith.extui %ge3A_52 : vector<1x128xi1> to vector<1x128xi32>
      %convert_element_type3A_54 = arith.sitofp %convert_element_type3A_53 : vector<1x128xi32> to vector<1x128xf32>
      %add3A_55 = arith.addf %broadcast_in_dim3A_40, %convert_element_type3A_54 : vector<1x128xf32>
      %eq3A_56 = arith.constant 1 : i32
      %eq3A_57 = vector.broadcast %eq3A_56 : i32 to vector<1x128xi32>
      %eq3A_58 = arith.cmpi eq, %iota3A_35, %eq3A_57 : vector<1x128xi32>
      %jit3A_59 = arith.constant 0.000000e+00 : f32
      %broadcast_in_dim3A_60 = vector.broadcast %jit3A_59 : f32 to vector<1x128xf32>
      %select_n3A_61 = arith.select %eq3A_58, %add3A_39, %broadcast_in_dim3A_60 : vector<1x128xi1>, vector<1x128xf32>
      %reduce_sum3A_62 = arith.constant dense<0.000000e+00> : vector<1xf32>
      %reduce_sum3A_63 = vector.multi_reduction <add>, %select_n3A_61, %reduce_sum3A_62 [1] : vector<1x128xf32> to vector<1xf32>
      %broadcast_in_dim3A_64 = vector.shape_cast %reduce_sum3A_63 : vector<1xf32> to vector<1x1xf32>
      %convert_element_type3A_65 = arith.sitofp %iota3A_35 : vector<1x128xi32> to vector<1x128xf32>
      %mul3A_66 = arith.constant 2.560000e+02 : f32
      %mul3A_67 = vector.broadcast %mul3A_66 : f32 to vector<1x128xf32>
      %mul3A_68 = arith.mulf %convert_element_type3A_65, %mul3A_67 : vector<1x128xf32>
      %ge3A_69 = vector.broadcast %broadcast_in_dim3A_64 : vector<1x1xf32> to vector<1x128xf32>
      %ge3A_70 = arith.cmpf oge, %mul3A_68, %ge3A_69 : vector<1x128xf32>
      %convert_element_type3A_71 = arith.extui %ge3A_70 : vector<1x128xi1> to vector<1x128xi32>
      %convert_element_type3A_72 = arith.sitofp %convert_element_type3A_71 : vector<1x128xi32> to vector<1x128xf32>
      %add3A_73 = arith.addf %add3A_55, %convert_element_type3A_72 : vector<1x128xf32>
      %eq3A_74 = arith.constant 2 : i32
      %eq3A_75 = vector.broadcast %eq3A_74 : i32 to vector<1x128xi32>
      %eq3A_76 = arith.cmpi eq, %iota3A_35, %eq3A_75 : vector<1x128xi32>
      %jit3A_77 = arith.constant 0.000000e+00 : f32
      %broadcast_in_dim3A_78 = vector.broadcast %jit3A_77 : f32 to vector<1x128xf32>
      %select_n3A_79 = arith.select %eq3A_76, %add3A_39, %broadcast_in_dim3A_78 : vector<1x128xi1>, vector<1x128xf32>
      %reduce_sum3A_80 = arith.constant dense<0.000000e+00> : vector<1xf32>
      %reduce_sum3A_81 = vector.multi_reduction <add>, %select_n3A_79, %reduce_sum3A_80 [1] : vector<1x128xf32> to vector<1xf32>
      %broadcast_in_dim3A_82 = vector.shape_cast %reduce_sum3A_81 : vector<1xf32> to vector<1x1xf32>
      %convert_element_type3A_83 = arith.sitofp %iota3A_35 : vector<1x128xi32> to vector<1x128xf32>
      %mul3A_84 = arith.constant 2.560000e+02 : f32
      %mul3A_85 = vector.broadcast %mul3A_84 : f32 to vector<1x128xf32>
      %mul3A_86 = arith.mulf %convert_element_type3A_83, %mul3A_85 : vector<1x128xf32>
      %ge3A_87 = vector.broadcast %broadcast_in_dim3A_82 : vector<1x1xf32> to vector<1x128xf32>
      %ge3A_88 = arith.cmpf oge, %mul3A_86, %ge3A_87 : vector<1x128xf32>
      %convert_element_type3A_89 = arith.extui %ge3A_88 : vector<1x128xi1> to vector<1x128xi32>
      %convert_element_type3A_90 = arith.sitofp %convert_element_type3A_89 : vector<1x128xi32> to vector<1x128xf32>
      %add3A_91 = arith.addf %add3A_73, %convert_element_type3A_90 : vector<1x128xf32>
      %eq3A_92 = arith.constant 3 : i32
      %eq3A_93 = vector.broadcast %eq3A_92 : i32 to vector<1x128xi32>
      %eq3A_94 = arith.cmpi eq, %iota3A_35, %eq3A_93 : vector<1x128xi32>
      %jit3A_95 = arith.constant 0.000000e+00 : f32
      %broadcast_in_dim3A_96 = vector.broadcast %jit3A_95 : f32 to vector<1x128xf32>
      %select_n3A_97 = arith.select %eq3A_94, %add3A_39, %broadcast_in_dim3A_96 : vector<1x128xi1>, vector<1x128xf32>
      %reduce_sum3A_98 = arith.constant dense<0.000000e+00> : vector<1xf32>
      %reduce_sum3A_99 = vector.multi_reduction <add>, %select_n3A_97, %reduce_sum3A_98 [1] : vector<1x128xf32> to vector<1xf32>
      %broadcast_in_dim3A_100 = vector.shape_cast %reduce_sum3A_99 : vector<1xf32> to vector<1x1xf32>
      %convert_element_type3A_101 = arith.sitofp %iota3A_35 : vector<1x128xi32> to vector<1x128xf32>
      %mul3A_102 = arith.constant 2.560000e+02 : f32
      %mul3A_103 = vector.broadcast %mul3A_102 : f32 to vector<1x128xf32>
      %mul3A_104 = arith.mulf %convert_element_type3A_101, %mul3A_103 : vector<1x128xf32>
      %ge3A_105 = vector.broadcast %broadcast_in_dim3A_100 : vector<1x1xf32> to vector<1x128xf32>
      %ge3A_106 = arith.cmpf oge, %mul3A_104, %ge3A_105 : vector<1x128xf32>
      %convert_element_type3A_107 = arith.extui %ge3A_106 : vector<1x128xi1> to vector<1x128xi32>
      %convert_element_type3A_108 = arith.sitofp %convert_element_type3A_107 : vector<1x128xi32> to vector<1x128xf32>
      %add3A_109 = arith.addf %add3A_91, %convert_element_type3A_108 : vector<1x128xf32>
      %eq3A_110 = arith.constant 4 : i32
      %eq3A_111 = vector.broadcast %eq3A_110 : i32 to vector<1x128xi32>
      %eq3A_112 = arith.cmpi eq, %iota3A_35, %eq3A_111 : vector<1x128xi32>
      %jit3A_113 = arith.constant 0.000000e+00 : f32
      %broadcast_in_dim3A_114 = vector.broadcast %jit3A_113 : f32 to vector<1x128xf32>
      %select_n3A_115 = arith.select %eq3A_112, %add3A_39, %broadcast_in_dim3A_114 : vector<1x128xi1>, vector<1x128xf32>
      %reduce_sum3A_116 = arith.constant dense<0.000000e+00> : vector<1xf32>
      %reduce_sum3A_117 = vector.multi_reduction <add>, %select_n3A_115, %reduce_sum3A_116 [1] : vector<1x128xf32> to vector<1xf32>
      %broadcast_in_dim3A_118 = vector.shape_cast %reduce_sum3A_117 : vector<1xf32> to vector<1x1xf32>
      %convert_element_type3A_119 = arith.sitofp %iota3A_35 : vector<1x128xi32> to vector<1x128xf32>
      %mul3A_120 = arith.constant 2.560000e+02 : f32
      %mul3A_121 = vector.broadcast %mul3A_120 : f32 to vector<1x128xf32>
      %mul3A_122 = arith.mulf %convert_element_type3A_119, %mul3A_121 : vector<1x128xf32>
      %ge3A_123 = vector.broadcast %broadcast_in_dim3A_118 : vector<1x1xf32> to vector<1x128xf32>
      %ge3A_124 = arith.cmpf oge, %mul3A_122, %ge3A_123 : vector<1x128xf32>
      %convert_element_type3A_125 = arith.extui %ge3A_124 : vector<1x128xi1> to vector<1x128xi32>
      %convert_element_type3A_126 = arith.sitofp %convert_element_type3A_125 : vector<1x128xi32> to vector<1x128xf32>
      %add3A_127 = arith.addf %add3A_109, %convert_element_type3A_126 : vector<1x128xf32>
      %eq3A_128 = arith.constant 5 : i32
      %eq3A_129 = vector.broadcast %eq3A_128 : i32 to vector<1x128xi32>
      %eq3A_130 = arith.cmpi eq, %iota3A_35, %eq3A_129 : vector<1x128xi32>
      %jit3A_131 = arith.constant 0.000000e+00 : f32
      %broadcast_in_dim3A_132 = vector.broadcast %jit3A_131 : f32 to vector<1x128xf32>
      %select_n3A_133 = arith.select %eq3A_130, %add3A_39, %broadcast_in_dim3A_132 : vector<1x128xi1>, vector<1x128xf32>
      %reduce_sum3A_134 = arith.constant dense<0.000000e+00> : vector<1xf32>
      %reduce_sum3A_135 = vector.multi_reduction <add>, %select_n3A_133, %reduce_sum3A_134 [1] : vector<1x128xf32> to vector<1xf32>
      %broadcast_in_dim3A_136 = vector.shape_cast %reduce_sum3A_135 : vector<1xf32> to vector<1x1xf32>
      %convert_element_type3A_137 = arith.sitofp %iota3A_35 : vector<1x128xi32> to vector<1x128xf32>
      %mul3A_138 = arith.constant 2.560000e+02 : f32
      %mul3A_139 = vector.broadcast %mul3A_138 : f32 to vector<1x128xf32>
      %mul3A_140 = arith.mulf %convert_element_type3A_137, %mul3A_139 : vector<1x128xf32>
      %ge3A_141 = vector.broadcast %broadcast_in_dim3A_136 : vector<1x1xf32> to vector<1x128xf32>
      %ge3A_142 = arith.cmpf oge, %mul3A_140, %ge3A_141 : vector<1x128xf32>
      %convert_element_type3A_143 = arith.extui %ge3A_142 : vector<1x128xi1> to vector<1x128xi32>
      %convert_element_type3A_144 = arith.sitofp %convert_element_type3A_143 : vector<1x128xi32> to vector<1x128xf32>
      %add3A_145 = arith.addf %add3A_127, %convert_element_type3A_144 : vector<1x128xf32>
      %eq3A_146 = arith.constant 6 : i32
      %eq3A_147 = vector.broadcast %eq3A_146 : i32 to vector<1x128xi32>
      %eq3A_148 = arith.cmpi eq, %iota3A_35, %eq3A_147 : vector<1x128xi32>
      %jit3A_149 = arith.constant 0.000000e+00 : f32
      %broadcast_in_dim3A_150 = vector.broadcast %jit3A_149 : f32 to vector<1x128xf32>
      %select_n3A_151 = arith.select %eq3A_148, %add3A_39, %broadcast_in_dim3A_150 : vector<1x128xi1>, vector<1x128xf32>
      %reduce_sum3A_152 = arith.constant dense<0.000000e+00> : vector<1xf32>
      %reduce_sum3A_153 = vector.multi_reduction <add>, %select_n3A_151, %reduce_sum3A_152 [1] : vector<1x128xf32> to vector<1xf32>
      %broadcast_in_dim3A_154 = vector.shape_cast %reduce_sum3A_153 : vector<1xf32> to vector<1x1xf32>
      %convert_element_type3A_155 = arith.sitofp %iota3A_35 : vector<1x128xi32> to vector<1x128xf32>
      %mul3A_156 = arith.constant 2.560000e+02 : f32
      %mul3A_157 = vector.broadcast %mul3A_156 : f32 to vector<1x128xf32>
      %mul3A_158 = arith.mulf %convert_element_type3A_155, %mul3A_157 : vector<1x128xf32>
      %ge3A_159 = vector.broadcast %broadcast_in_dim3A_154 : vector<1x1xf32> to vector<1x128xf32>
      %ge3A_160 = arith.cmpf oge, %mul3A_158, %ge3A_159 : vector<1x128xf32>
      %convert_element_type3A_161 = arith.extui %ge3A_160 : vector<1x128xi1> to vector<1x128xi32>
      %convert_element_type3A_162 = arith.sitofp %convert_element_type3A_161 : vector<1x128xi32> to vector<1x128xf32>
      %add3A_163 = arith.addf %add3A_145, %convert_element_type3A_162 : vector<1x128xf32>
      %eq3A_164 = arith.constant 7 : i32
      %eq3A_165 = vector.broadcast %eq3A_164 : i32 to vector<1x128xi32>
      %eq3A_166 = arith.cmpi eq, %iota3A_35, %eq3A_165 : vector<1x128xi32>
      %jit3A_167 = arith.constant 0.000000e+00 : f32
      %broadcast_in_dim3A_168 = vector.broadcast %jit3A_167 : f32 to vector<1x128xf32>
      %select_n3A_169 = arith.select %eq3A_166, %add3A_39, %broadcast_in_dim3A_168 : vector<1x128xi1>, vector<1x128xf32>
      %reduce_sum3A_170 = arith.constant dense<0.000000e+00> : vector<1xf32>
      %reduce_sum3A_171 = vector.multi_reduction <add>, %select_n3A_169, %reduce_sum3A_170 [1] : vector<1x128xf32> to vector<1xf32>
      %broadcast_in_dim3A_172 = vector.shape_cast %reduce_sum3A_171 : vector<1xf32> to vector<1x1xf32>
      %convert_element_type3A_173 = arith.sitofp %iota3A_35 : vector<1x128xi32> to vector<1x128xf32>
      %mul3A_174 = arith.constant 2.560000e+02 : f32
      %mul3A_175 = vector.broadcast %mul3A_174 : f32 to vector<1x128xf32>
      %mul3A_176 = arith.mulf %convert_element_type3A_173, %mul3A_175 : vector<1x128xf32>
      %ge3A_177 = vector.broadcast %broadcast_in_dim3A_172 : vector<1x1xf32> to vector<1x128xf32>
      %ge3A_178 = arith.cmpf oge, %mul3A_176, %ge3A_177 : vector<1x128xf32>
      %convert_element_type3A_179 = arith.extui %ge3A_178 : vector<1x128xi1> to vector<1x128xi32>
      %convert_element_type3A_180 = arith.sitofp %convert_element_type3A_179 : vector<1x128xi32> to vector<1x128xf32>
      %add3A_181 = arith.addf %add3A_163, %convert_element_type3A_180 : vector<1x128xf32>
      %reduce_sum3A_182 = arith.constant dense<0.000000e+00> : vector<1xf32>
      %reduce_sum3A_183 = vector.multi_reduction <add>, %mul3A_26, %reduce_sum3A_182 [1] : vector<1x128xf32> to vector<1xf32>
      %broadcast_in_dim3A_184 = vector.shape_cast %reduce_sum3A_183 : vector<1xf32> to vector<1x1xf32>
      %mul3A_185 = arith.constant 3.906250e-03 : f32
      %mul3A_186 = vector.broadcast %mul3A_185 : f32 to vector<1x1xf32>
      %mul3A_187 = arith.mulf %broadcast_in_dim3A_184, %mul3A_186 : vector<1x1xf32>
      %min3A = arith.constant 7.000000e+00 : f32
      %min3A_188 = vector.broadcast %min3A : f32 to vector<1x128xf32>
      %min3A_189 = arith.minimumf %add3A_181, %min3A_188 : vector<1x128xf32>
      %eq3A_190 = arith.constant 24 : i32
      %eq3A_191 = vector.broadcast %eq3A_190 : i32 to vector<1x128xi32>
      %eq3A_192 = arith.cmpi eq, %iota3A_35, %eq3A_191 : vector<1x128xi32>
      %broadcast_in_dim3A_193 = vector.shape_cast %mul3A_187 : vector<1x1xf32> to vector<1x1xf32>
      %broadcast_in_dim3A_194 = vector.broadcast %broadcast_in_dim3A_193 : vector<1x1xf32> to vector<1x128xf32>
      %select_n3A_195 = arith.select %eq3A_192, %broadcast_in_dim3A_194, %min3A_189 : vector<1x128xi1>, vector<1x128xf32>
      %convert_element_type3A_196 = arith.fptosi %select_n3A_195 : vector<1x128xf32> to vector<1x128xi32>
      %swap3A_197 = arith.constant 0 : index
      %swap3A_198 = arith.constant 0 : index
      %swap3A_199 = vector.load %arg3[%swap3A_197, %swap3A_198] : memref<1x128xi32, #tpu.memory_space<vmem>>, vector<1x128xi32>
      tpu.vector_store %arg3[%swap3A_197, %swap3A_198], %convert_element_type3A_196 {strides = array<i32>} : memref<1x128xi32, #tpu.memory_space<vmem>>, vector<1x128xi32>,
    } else {
    }
    %ge3A = arith.constant 8 : i32
    %ge3A_13 = arith.cmpi sge, %arg0, %ge3A : i32
    %convert_element_type3A_14 = arith.extui %ge3A_13 : i1 to i32
    %cond3A_15 = arith.constant 0 : i32
    %cond3A_16 = arith.cmpi ne, %convert_element_type3A_14, %cond3A_15 : i32
    scf.if %cond3A_16 {
      %sub3A = arith.constant 8 : i32
      %sub3A_17 = arith.subi %arg0, %sub3A : i32
      %lt3A_18 = arith.constant 8 : i32
      %lt3A_19 = vector.broadcast %lt3A_18 : i32 to vector<256x128xi32>
      %lt3A_20 = arith.cmpi slt, %iota3A, %lt3A_19 : vector<256x128xi32>
      %jit3A = arith.constant -1.000000e+00 : f32
      %broadcast_in_dim3A = vector.broadcast %jit3A : f32 to vector<256x128xf32>
      %select_n3A = arith.select %lt3A_20, %get3A_1, %broadcast_in_dim3A : vector<256x128xi1>, vector<256x128xf32>
      %reduce_max3A = arith.constant dense<0xFF800000> : vector<256xf32>
      %reduce_max3A_21 = vector.multi_reduction <maximumf>, %select_n3A, %reduce_max3A [1] : vector<256x128xf32> to vector<256xf32>
      %broadcast_in_dim3A_22 = vector.shape_cast %reduce_max3A_21 : vector<256xf32> to vector<256x1xf32>
      %eq3A_23 = vector.broadcast %broadcast_in_dim3A_22 : vector<256x1xf32> to vector<256x128xf32>
      %eq3A_24 = arith.cmpf oeq, %select_n3A, %eq3A_23 : vector<256x128xf32>
      %jit3A_25 = arith.constant 128 : i32
      %broadcast_in_dim3A_26 = vector.broadcast %jit3A_25 : i32 to vector<256x128xi32>
      %select_n3A_27 = arith.select %eq3A_24, %iota3A, %broadcast_in_dim3A_26 : vector<256x128xi1>, vector<256x128xi32>
      %reduce_min3A = arith.constant dense<2147483647> : vector<256xi32>
      %reduce_min3A_28 = vector.multi_reduction <minsi>, %select_n3A_27, %reduce_min3A [1] : vector<256x128xi32> to vector<256xi32>
      %broadcast_in_dim3A_29 = vector.shape_cast %reduce_min3A_28 : vector<256xi32> to vector<256x1xi32>
      %eq3A_30 = vector.broadcast %broadcast_in_dim3A_29 : vector<256x1xi32> to vector<256x128xi32>
      %eq3A_31 = arith.cmpi eq, %iota3A, %eq3A_30 : vector<256x128xi32>
      %jit3A_32 = arith.constant -1.000000e+00 : f32
      %broadcast_in_dim3A_33 = vector.broadcast %jit3A_32 : f32 to vector<256x128xf32>
      %select_n3A_34 = arith.select %eq3A_31, %broadcast_in_dim3A_33, %select_n3A : vector<256x128xi1>, vector<256x128xf32>
      %reduce_max3A_35 = arith.constant dense<0xFF800000> : vector<256xf32>
      %reduce_max3A_36 = vector.multi_reduction <maximumf>, %select_n3A_34, %reduce_max3A_35 [1] : vector<256x128xf32> to vector<256xf32>
      %broadcast_in_dim3A_37 = vector.shape_cast %reduce_max3A_36 : vector<256xf32> to vector<256x1xf32>
      %eq3A_38 = vector.broadcast %broadcast_in_dim3A_37 : vector<256x1xf32> to vector<256x128xf32>
      %eq3A_39 = arith.cmpf oeq, %select_n3A_34, %eq3A_38 : vector<256x128xf32>
      %jit3A_40 = arith.constant 128 : i32
      %broadcast_in_dim3A_41 = vector.broadcast %jit3A_40 : i32 to vector<256x128xi32>
      %select_n3A_42 = arith.select %eq3A_39, %iota3A, %broadcast_in_dim3A_41 : vector<256x128xi1>, vector<256x128xi32>
      %reduce_min3A_43 = arith.constant dense<2147483647> : vector<256xi32>
      %reduce_min3A_44 = vector.multi_reduction <minsi>, %select_n3A_42, %reduce_min3A_43 [1] : vector<256x128xi32> to vector<256xi32>
      %broadcast_in_dim3A_45 = vector.shape_cast %reduce_min3A_44 : vector<256xi32> to vector<256x1xi32>
      %mul3A = arith.constant 256 : i32
      %mul3A_46 = arith.muli %sub3A_17, %mul3A : i32
      %get3A_47 = arith.index_cast %mul3A_46 : i32 to index
      %get3A_48 = arith.constant 0 : index
      %get3A_49 = vector.load %arg4[%get3A_47, %get3A_48] : memref<2048x128xf32, #tpu.memory_space<vmem>>, vector<256x128xf32>
      %get3A_50 = arith.constant 0 : index
      %get3A_51 = arith.constant 0 : index
      %get3A_52 = vector.load %arg6[%get3A_50, %get3A_51] : memref<1x128xf32, #tpu.memory_space<vmem>>, vector<1x128xf32>
      %add3A = vector.broadcast %get3A_52 : vector<1x128xf32> to vector<256x128xf32>
      %add3A_53 = arith.addf %add3A, %get3A_49 : vector<256x128xf32>
      %eq3A_54 = vector.broadcast %broadcast_in_dim3A_29 : vector<256x1xi32> to vector<256x128xi32>
      %eq3A_55 = arith.cmpi eq, %iota3A, %eq3A_54 : vector<256x128xi32>
      %jit3A_56 = arith.constant 0.000000e+00 : f32
      %broadcast_in_dim3A_57 = vector.broadcast %jit3A_56 : f32 to vector<256x128xf32>
      %select_n3A_58 = arith.select %eq3A_55, %add3A_53, %broadcast_in_dim3A_57 : vector<256x128xi1>, vector<256x128xf32>
      %reduce_sum3A = arith.constant dense<0.000000e+00> : vector<256xf32>
      %reduce_sum3A_59 = vector.multi_reduction <add>, %select_n3A_58, %reduce_sum3A [1] : vector<256x128xf32> to vector<256xf32>
      %broadcast_in_dim3A_60 = vector.shape_cast %reduce_sum3A_59 : vector<256xf32> to vector<256x1xf32>
      %eq3A_61 = vector.broadcast %broadcast_in_dim3A_45 : vector<256x1xi32> to vector<256x128xi32>
      %eq3A_62 = arith.cmpi eq, %iota3A, %eq3A_61 : vector<256x128xi32>
      %jit3A_63 = arith.constant 0.000000e+00 : f32
      %broadcast_in_dim3A_64 = vector.broadcast %jit3A_63 : f32 to vector<256x128xf32>
      %select_n3A_65 = arith.select %eq3A_62, %add3A_53, %broadcast_in_dim3A_64 : vector<256x128xi1>, vector<256x128xf32>
      %reduce_sum3A_66 = arith.constant dense<0.000000e+00> : vector<256xf32>
      %reduce_sum3A_67 = vector.multi_reduction <add>, %select_n3A_65, %reduce_sum3A_66 [1] : vector<256x128xf32> to vector<256xf32>
      %broadcast_in_dim3A_68 = vector.shape_cast %reduce_sum3A_67 : vector<256xf32> to vector<256x1xf32>
      %eq3A_69 = arith.constant 0 : i32
      %eq3A_70 = vector.broadcast %eq3A_69 : i32 to vector<256x128xi32>
      %eq3A_71 = arith.cmpi eq, %iota3A, %eq3A_70 : vector<256x128xi32>
      %jit3A_72 = arith.constant 0.000000e+00 : f32
      %broadcast_in_dim3A_73 = vector.shape_cast %broadcast_in_dim3A_60 : vector<256x1xf32> to vector<256x1xf32>
      %broadcast_in_dim3A_74 = vector.broadcast %broadcast_in_dim3A_73 : vector<256x1xf32> to vector<256x128xf32>
      %broadcast_in_dim3A_75 = vector.broadcast %jit3A_72 : f32 to vector<256x128xf32>
      %select_n3A_76 = arith.select %eq3A_71, %broadcast_in_dim3A_74, %broadcast_in_dim3A_75 : vector<256x128xi1>, vector<256x128xf32>
      %eq3A_77 = arith.constant 1 : i32
      %eq3A_78 = vector.broadcast %eq3A_77 : i32 to vector<256x128xi32>
      %eq3A_79 = arith.cmpi eq, %iota3A, %eq3A_78 : vector<256x128xi32>
      %jit3A_80 = arith.constant 0.000000e+00 : f32
      %broadcast_in_dim3A_81 = vector.shape_cast %broadcast_in_dim3A_68 : vector<256x1xf32> to vector<256x1xf32>
      %broadcast_in_dim3A_82 = vector.broadcast %broadcast_in_dim3A_81 : vector<256x1xf32> to vector<256x128xf32>
      %broadcast_in_dim3A_83 = vector.broadcast %jit3A_80 : f32 to vector<256x128xf32>
      %select_n3A_84 = arith.select %eq3A_79, %broadcast_in_dim3A_82, %broadcast_in_dim3A_83 : vector<256x128xi1>, vector<256x128xf32>
      %add3A_85 = arith.addf %select_n3A_76, %select_n3A_84 : vector<256x128xf32>
      %eq3A_86 = arith.constant 2 : i32
      %eq3A_87 = vector.broadcast %eq3A_86 : i32 to vector<256x128xi32>
      %eq3A_88 = arith.cmpi eq, %iota3A, %eq3A_87 : vector<256x128xi32>
      %jit3A_89 = arith.constant 0.000000e+00 : f32
      %broadcast_in_dim3A_90 = vector.shape_cast %broadcast_in_dim3A_22 : vector<256x1xf32> to vector<256x1xf32>
      %broadcast_in_dim3A_91 = vector.broadcast %broadcast_in_dim3A_90 : vector<256x1xf32> to vector<256x128xf32>
      %broadcast_in_dim3A_92 = vector.broadcast %jit3A_89 : f32 to vector<256x128xf32>
      %select_n3A_93 = arith.select %eq3A_88, %broadcast_in_dim3A_91, %broadcast_in_dim3A_92 : vector<256x128xi1>, vector<256x128xf32>
      %add3A_94 = arith.addf %add3A_85, %select_n3A_93 : vector<256x128xf32>
      %eq3A_95 = arith.constant 3 : i32
      %eq3A_96 = vector.broadcast %eq3A_95 : i32 to vector<256x128xi32>
      %eq3A_97 = arith.cmpi eq, %iota3A, %eq3A_96 : vector<256x128xi32>
      %jit3A_98 = arith.constant 0.000000e+00 : f32
      %broadcast_in_dim3A_99 = vector.shape_cast %broadcast_in_dim3A_37 : vector<256x1xf32> to vector<256x1xf32>
      %broadcast_in_dim3A_100 = vector.broadcast %broadcast_in_dim3A_99 : vector<256x1xf32> to vector<256x128xf32>
      %broadcast_in_dim3A_101 = vector.broadcast %jit3A_98 : f32 to vector<256x128xf32>
      %select_n3A_102 = arith.select %eq3A_97, %broadcast_in_dim3A_100, %broadcast_in_dim3A_101 : vector<256x128xi1>, vector<256x128xf32>
      %add3A_103 = arith.addf %add3A_94, %select_n3A_102 : vector<256x128xf32>
      %swap3A = arith.constant 0 : index
      %swap3A_104 = arith.constant 0 : index
      %swap3A_105 = vector.load %arg2[%swap3A, %swap3A_104] : memref<256x128xf32, #tpu.memory_space<vmem>>, vector<256x128xf32>
      tpu.vector_store %arg2[%swap3A, %swap3A_104], %add3A_103 {strides = array<i32>} : memref<256x128xf32, #tpu.memory_space<vmem>>, vector<256x128xf32>,
    } else {
    }
    return
  }
  func.func @transform_0(%arg0: i32) -> (i32, i32) {
    %rem3A = arith.constant 8 : i32
    %rem3A_0 = arith.remsi %arg0, %rem3A : i32
    %c0_i32 = arith.constant 0 : i32
    %c0_i32_1 = arith.constant 0 : i32
    return %rem3A_0, %c0_i32 : i32, i32
  }
  func.func @transform_1(%arg0: i32) -> (i32, i32) {
    %rem3A = arith.constant 8 : i32
    %rem3A_0 = arith.remsi %arg0, %rem3A : i32
    %c0_i32 = arith.constant 0 : i32
    %c0_i32_1 = arith.constant 0 : i32
    return %rem3A_0, %c0_i32 : i32, i32
  }
  func.func @transform_2(%arg0: i32) -> (i32, i32) {
    %c0_i32 = arith.constant 0 : i32
    %c0_i32_0 = arith.constant 0 : i32
    %c0_i32_1 = arith.constant 0 : i32
    return %c0_i32, %c0_i32_0 : i32, i32
  }
}

module attributes {stable_mosaic.version = 14 : i64} {
  func.func @_moe_sparse_body(%arg0: i32, %arg1: memref<25xi32, #tpu.memory_space<smem>>, %arg2: memref<256x768xbf16, #tpu.memory_space<vmem>>, %arg3: memref<1x768x768xbf16, #tpu.memory_space<vmem>>, %arg4: memref<1x768x768xbf16, #tpu.memory_space<vmem>>, %arg5: memref<1x768x768xbf16, #tpu.memory_space<vmem>>, %arg6: memref<256x1xf32, #tpu.memory_space<vmem>>, %arg7: memref<256x768xbf16, #tpu.memory_space<vmem>>) attributes {dimension_semantics = [#tpu.dimension_semantics<arbitrary>], iteration_bounds = array<i64: 24>, scalar_prefetch = 1 : i64, scratch_operands = 0 : i64, tpu.core_type = #tpu.core_type<tc>, window_params = [{transform_indices = @transform_0, window_bounds = array<i64: 256, 768>}, {transform_indices = @transform_1, window_bounds = array<i64: 1, 768, 768>}, {transform_indices = @transform_2, window_bounds = array<i64: 1, 768, 768>}, {transform_indices = @transform_3, window_bounds = array<i64: 1, 768, 768>}, {transform_indices = @transform_4, window_bounds = array<i64: 256, 1>}, {transform_indices = @transform_5, window_bounds = array<i64: 256, 768>}]} {
    %get3A = arith.constant 24 : index
    %get3A_0 = memref.load %arg1[%get3A] : memref<25xi32, #tpu.memory_space<smem>>
    %lt3A = arith.cmpi slt, %arg0, %get3A_0 : i32
    %convert_element_type3A = arith.extui %lt3A : i1 to i32
    %cond3A = arith.constant 0 : i32
    %cond3A_1 = arith.cmpi ne, %convert_element_type3A, %cond3A : i32
    scf.if %cond3A_1 {
      %get3A_2 = arith.constant 0 : index
      %get3A_3 = arith.constant 0 : index
      %get3A_4 = vector.load %arg2[%get3A_2, %get3A_3] : memref<256x768xbf16, #tpu.memory_space<vmem>>, vector<256x768xbf16>
      %get3A_5 = arith.constant 0 : index
      %get3A_6 = arith.constant 0 : index
      %get3A_7 = arith.constant 0 : index
      %get3A_8 = vector.load %arg3[%get3A_5, %get3A_6, %get3A_7] : memref<1x768x768xbf16, #tpu.memory_space<vmem>>, vector<1x768x768xbf16>
      %get3A_9 = vector.shape_cast %get3A_8 : vector<1x768x768xbf16> to vector<768x768xbf16>
      %dot_general3A = arith.constant dense<0.000000e+00> : vector<256x768xf32>
      %dot_general3A_10 = tpu.matmul %get3A_4, %get3A_9, %dot_general3A {dimension_numbers = #tpu.dot_dimension_numbers<[1], [0], [0], [1], [0, 0, 1, 1], [], []>, transpose_lhs_hint = false} : vector<256x768xbf16>, vector<768x768xbf16>, vector<256x768xf32> -> vector<256x768xf32>
      %get3A_11 = arith.constant 0 : index
      %get3A_12 = arith.constant 0 : index
      %get3A_13 = arith.constant 0 : index
      %get3A_14 = vector.load %arg4[%get3A_11, %get3A_12, %get3A_13] : memref<1x768x768xbf16, #tpu.memory_space<vmem>>, vector<1x768x768xbf16>
      %get3A_15 = vector.shape_cast %get3A_14 : vector<1x768x768xbf16> to vector<768x768xbf16>
      %dot_general3A_16 = arith.constant dense<0.000000e+00> : vector<256x768xf32>
      %dot_general3A_17 = tpu.matmul %get3A_4, %get3A_15, %dot_general3A_16 {dimension_numbers = #tpu.dot_dimension_numbers<[1], [0], [0], [1], [0, 0, 1, 1], [], []>, transpose_lhs_hint = false} : vector<256x768xbf16>, vector<768x768xbf16>, vector<256x768xf32> -> vector<256x768xf32>
      %logistic3A = arith.negf %dot_general3A_10 : vector<256x768xf32>
      %logistic3A_18 = math.exp %logistic3A : vector<256x768xf32>
      %logistic3A_19 = arith.constant 1.000000e+00 : f32
      %logistic3A_20 = vector.broadcast %logistic3A_19 : f32 to vector<256x768xf32>
      %logistic3A_21 = arith.addf %logistic3A_20, %logistic3A_18 : vector<256x768xf32>
      %logistic3A_22 = arith.divf %logistic3A_20, %logistic3A_21 : vector<256x768xf32>
      %mul3A = arith.mulf %dot_general3A_10, %logistic3A_22 : vector<256x768xf32>
      %mul3A_23 = arith.mulf %mul3A, %dot_general3A_17 : vector<256x768xf32>
      %convert_element_type3A_24 = arith.truncf %mul3A_23 : vector<256x768xf32> to vector<256x768xbf16>
      %get3A_25 = arith.constant 0 : index
      %get3A_26 = arith.constant 0 : index
      %get3A_27 = arith.constant 0 : index
      %get3A_28 = vector.load %arg5[%get3A_25, %get3A_26, %get3A_27] : memref<1x768x768xbf16, #tpu.memory_space<vmem>>, vector<1x768x768xbf16>
      %get3A_29 = vector.shape_cast %get3A_28 : vector<1x768x768xbf16> to vector<768x768xbf16>
      %dot_general3A_30 = arith.constant dense<0.000000e+00> : vector<256x768xf32>
      %dot_general3A_31 = tpu.matmul %convert_element_type3A_24, %get3A_29, %dot_general3A_30 {dimension_numbers = #tpu.dot_dimension_numbers<[1], [0], [0], [1], [0, 0, 1, 1], [], []>, transpose_lhs_hint = false} : vector<256x768xbf16>, vector<768x768xbf16>, vector<256x768xf32> -> vector<256x768xf32>
      %get3A_32 = arith.constant 0 : index
      %get3A_33 = arith.constant 0 : index
      %get3A_34 = vector.load %arg6[%get3A_32, %get3A_33] : memref<256x1xf32, #tpu.memory_space<vmem>>, vector<256x1xf32>
      %mul3A_35 = vector.broadcast %get3A_34 : vector<256x1xf32> to vector<256x768xf32>
      %mul3A_36 = arith.mulf %dot_general3A_31, %mul3A_35 : vector<256x768xf32>
      %convert_element_type3A_37 = arith.truncf %mul3A_36 : vector<256x768xf32> to vector<256x768xbf16>
      %swap3A = arith.constant 0 : index
      %swap3A_38 = arith.constant 0 : index
      %swap3A_39 = vector.load %arg7[%swap3A, %swap3A_38] : memref<256x768xbf16, #tpu.memory_space<vmem>>, vector<256x768xbf16>
      tpu.vector_store %arg7[%swap3A, %swap3A_38], %convert_element_type3A_37 {strides = array<i32>} : memref<256x768xbf16, #tpu.memory_space<vmem>>, vector<256x768xbf16>,
    } else {
    }
    return
  }
  func.func @transform_0(%arg0: i32, %arg1: memref<25xi32, #tpu.memory_space<smem>>) -> (i32, i32) {
    %c0_i32 = arith.constant 0 : i32
    %c0_i32_0 = arith.constant 0 : i32
    return %arg0, %c0_i32 : i32, i32
  }
  func.func @transform_1(%arg0: i32, %arg1: memref<25xi32, #tpu.memory_space<smem>>) -> (i32, i32, i32) {
    %get3A = arith.index_cast %arg0 : i32 to index
    %get3A_0 = memref.load %arg1[%get3A] : memref<25xi32, #tpu.memory_space<smem>>
    %c0_i32 = arith.constant 0 : i32
    %c0_i32_1 = arith.constant 0 : i32
    %c0_i32_2 = arith.constant 0 : i32
    return %get3A_0, %c0_i32, %c0_i32_1 : i32, i32, i32
  }
  func.func @transform_2(%arg0: i32, %arg1: memref<25xi32, #tpu.memory_space<smem>>) -> (i32, i32, i32) {
    %get3A = arith.index_cast %arg0 : i32 to index
    %get3A_0 = memref.load %arg1[%get3A] : memref<25xi32, #tpu.memory_space<smem>>
    %c0_i32 = arith.constant 0 : i32
    %c0_i32_1 = arith.constant 0 : i32
    %c0_i32_2 = arith.constant 0 : i32
    return %get3A_0, %c0_i32, %c0_i32_1 : i32, i32, i32
  }
  func.func @transform_3(%arg0: i32, %arg1: memref<25xi32, #tpu.memory_space<smem>>) -> (i32, i32, i32) {
    %get3A = arith.index_cast %arg0 : i32 to index
    %get3A_0 = memref.load %arg1[%get3A] : memref<25xi32, #tpu.memory_space<smem>>
    %c0_i32 = arith.constant 0 : i32
    %c0_i32_1 = arith.constant 0 : i32
    %c0_i32_2 = arith.constant 0 : i32
    return %get3A_0, %c0_i32, %c0_i32_1 : i32, i32, i32
  }
  func.func @transform_4(%arg0: i32, %arg1: memref<25xi32, #tpu.memory_space<smem>>) -> (i32, i32) {
    %c0_i32 = arith.constant 0 : i32
    %c0_i32_0 = arith.constant 0 : i32
    return %arg0, %c0_i32 : i32, i32
  }
  func.func @transform_5(%arg0: i32, %arg1: memref<25xi32, #tpu.memory_space<smem>>) -> (i32, i32) {
    %c0_i32 = arith.constant 0 : i32
    %c0_i32_0 = arith.constant 0 : i32
    return %arg0, %c0_i32 : i32, i32
  }
}

module attributes {stable_mosaic.version = 14 : i64} {
  func.func @_final_body(%arg0: i32, %arg1: memref<512x768xf32, #tpu.memory_space<vmem>>, %arg2: memref<512x768xbf16, #tpu.memory_space<vmem>>, %arg3: memref<512x768xbf16, #tpu.memory_space<vmem>>, %arg4: memref<512x768xbf16, #tpu.memory_space<vmem>>, %arg5: memref<768x768xbf16, #tpu.memory_space<vmem>>, %arg6: memref<768x768xbf16, #tpu.memory_space<vmem>>, %arg7: memref<768x768xbf16, #tpu.memory_space<vmem>>, %arg8: memref<512x1xf32, #tpu.memory_space<vmem>>, %arg9: memref<1x768xf32, #tpu.memory_space<vmem>>, %arg10: memref<768x128xf32, #tpu.memory_space<vmem>>, %arg11: memref<1x1xf32, #tpu.memory_space<vmem>>, %arg12: memref<512x1xf32, #tpu.memory_space<vmem>>, %arg13: memref<512x1xf32, #tpu.memory_space<vmem>>, %arg14: memref<512x128xf32, #tpu.memory_space<vmem>>, %arg15: memref<512x128xf32, #tpu.memory_space<vmem>>, %arg16: memref<4x128xf32, #tpu.memory_space<vmem>>, %arg17: memref<1x1xf32, #tpu.memory_space<vmem>>) attributes {dimension_semantics = [#tpu.dimension_semantics<arbitrary>], iteration_bounds = array<i64: 4>, scalar_prefetch = 0 : i64, scratch_operands = 0 : i64, tpu.core_type = #tpu.core_type<tc>, window_params = [{transform_indices = @transform_0, window_bounds = array<i64: 512, 768>}, {transform_indices = @transform_1, window_bounds = array<i64: 512, 768>}, {transform_indices = @transform_2, window_bounds = array<i64: 512, 768>}, {transform_indices = @transform_3, window_bounds = array<i64: 512, 768>}, {pipeline_mode = #tpu.pipeline_mode<synchronous>, transform_indices = @transform_4, window_bounds = array<i64: 768, 768>}, {pipeline_mode = #tpu.pipeline_mode<synchronous>, transform_indices = @transform_5, window_bounds = array<i64: 768, 768>}, {pipeline_mode = #tpu.pipeline_mode<synchronous>, transform_indices = @transform_6, window_bounds = array<i64: 768, 768>}, {transform_indices = @transform_7, window_bounds = array<i64: 512, 1>}, {pipeline_mode = #tpu.pipeline_mode<synchronous>, transform_indices = @transform_8, window_bounds = array<i64: 1, 768>}, {pipeline_mode = #tpu.pipeline_mode<synchronous>, transform_indices = @transform_9, window_bounds = array<i64: 768, 128>}, {pipeline_mode = #tpu.pipeline_mode<synchronous>, transform_indices = @transform_10, window_bounds = array<i64: 1, 1>}, {transform_indices = @transform_11, window_bounds = array<i64: 512, 1>}, {transform_indices = @transform_12, window_bounds = array<i64: 512, 1>}, {transform_indices = @transform_13, window_bounds = array<i64: 512, 128>}, {transform_indices = @transform_14, window_bounds = array<i64: 512, 128>}, {pipeline_mode = #tpu.pipeline_mode<synchronous>, transform_indices = @transform_15, window_bounds = array<i64: 4, 128>}, {pipeline_mode = #tpu.pipeline_mode<synchronous>, transform_indices = @transform_16, window_bounds = array<i64: 1, 1>}]} {
    %eq3A = arith.constant 0 : i32
    %eq3A_0 = arith.cmpi eq, %arg0, %eq3A : i32
    %convert_element_type3A = arith.extui %eq3A_0 : i1 to i32
    %cond3A = arith.constant 0 : i32
    %cond3A_1 = arith.cmpi ne, %convert_element_type3A, %cond3A : i32
    scf.if %cond3A_1 {
      %broadcast_in_dim3A_136 = arith.constant 0.000000e+00 : f32
      %broadcast_in_dim3A_137 = vector.broadcast %broadcast_in_dim3A_136 : f32 to vector<4x128xf32>
      %swap3A_138 = arith.constant 0 : index
      %swap3A_139 = arith.constant 0 : index
      %swap3A_140 = vector.load %arg16[%swap3A_138, %swap3A_139] : memref<4x128xf32, #tpu.memory_space<vmem>>, vector<4x128xf32>
      tpu.vector_store %arg16[%swap3A_138, %swap3A_139], %broadcast_in_dim3A_137 {strides = array<i32>} : memref<4x128xf32, #tpu.memory_space<vmem>>, vector<4x128xf32>,
    } else {
    }
    %get3A = arith.constant 0 : index
    %get3A_2 = arith.constant 0 : index
    %get3A_3 = vector.load %arg4[%get3A, %get3A_2] : memref<512x768xbf16, #tpu.memory_space<vmem>>, vector<512x768xbf16>
    %get3A_4 = arith.constant 0 : index
    %get3A_5 = arith.constant 0 : index
    %get3A_6 = vector.load %arg5[%get3A_4, %get3A_5] : memref<768x768xbf16, #tpu.memory_space<vmem>>, vector<768x768xbf16>
    %dot_general3A = arith.constant dense<0.000000e+00> : vector<512x768xf32>
    %dot_general3A_7 = tpu.matmul %get3A_3, %get3A_6, %dot_general3A {dimension_numbers = #tpu.dot_dimension_numbers<[1], [0], [0], [1], [0, 0, 1, 1], [], []>, transpose_lhs_hint = false} : vector<512x768xbf16>, vector<768x768xbf16>, vector<512x768xf32> -> vector<512x768xf32>
    %get3A_8 = arith.constant 0 : index
    %get3A_9 = arith.constant 0 : index
    %get3A_10 = vector.load %arg6[%get3A_8, %get3A_9] : memref<768x768xbf16, #tpu.memory_space<vmem>>, vector<768x768xbf16>
    %dot_general3A_11 = arith.constant dense<0.000000e+00> : vector<512x768xf32>
    %dot_general3A_12 = tpu.matmul %get3A_3, %get3A_10, %dot_general3A_11 {dimension_numbers = #tpu.dot_dimension_numbers<[1], [0], [0], [1], [0, 0, 1, 1], [], []>, transpose_lhs_hint = false} : vector<512x768xbf16>, vector<768x768xbf16>, vector<512x768xf32> -> vector<512x768xf32>
    %logistic3A = arith.negf %dot_general3A_7 : vector<512x768xf32>
    %logistic3A_13 = math.exp %logistic3A : vector<512x768xf32>
    %logistic3A_14 = arith.constant 1.000000e+00 : f32
    %logistic3A_15 = vector.broadcast %logistic3A_14 : f32 to vector<512x768xf32>
    %logistic3A_16 = arith.addf %logistic3A_15, %logistic3A_13 : vector<512x768xf32>
    %logistic3A_17 = arith.divf %logistic3A_15, %logistic3A_16 : vector<512x768xf32>
    %mul3A = arith.mulf %dot_general3A_7, %logistic3A_17 : vector<512x768xf32>
    %mul3A_18 = arith.mulf %mul3A, %dot_general3A_12 : vector<512x768xf32>
    %convert_element_type3A_19 = arith.truncf %mul3A_18 : vector<512x768xf32> to vector<512x768xbf16>
    %get3A_20 = arith.constant 0 : index
    %get3A_21 = arith.constant 0 : index
    %get3A_22 = vector.load %arg7[%get3A_20, %get3A_21] : memref<768x768xbf16, #tpu.memory_space<vmem>>, vector<768x768xbf16>
    %dot_general3A_23 = arith.constant dense<0.000000e+00> : vector<512x768xf32>
    %dot_general3A_24 = tpu.matmul %convert_element_type3A_19, %get3A_22, %dot_general3A_23 {dimension_numbers = #tpu.dot_dimension_numbers<[1], [0], [0], [1], [0, 0, 1, 1], [], []>, transpose_lhs_hint = false} : vector<512x768xbf16>, vector<768x768xbf16>, vector<512x768xf32> -> vector<512x768xf32>
    %get3A_25 = arith.constant 0 : index
    %get3A_26 = arith.constant 0 : index
    %get3A_27 = vector.load %arg2[%get3A_25, %get3A_26] : memref<512x768xbf16, #tpu.memory_space<vmem>>, vector<512x768xbf16>
    %get3A_28 = arith.constant 0 : index
    %get3A_29 = arith.constant 0 : index
    %get3A_30 = vector.load %arg3[%get3A_28, %get3A_29] : memref<512x768xbf16, #tpu.memory_space<vmem>>, vector<512x768xbf16>
    %add3A = arith.addf %get3A_27, %get3A_30 : vector<512x768xbf16>
    %convert_element_type3A_31 = arith.extf %add3A : vector<512x768xbf16> to vector<512x768xf32>
    %get3A_32 = arith.constant 0 : index
    %get3A_33 = arith.constant 0 : index
    %get3A_34 = vector.load %arg8[%get3A_32, %get3A_33] : memref<512x1xf32, #tpu.memory_space<vmem>>, vector<512x1xf32>
    %mul3A_35 = vector.broadcast %get3A_34 : vector<512x1xf32> to vector<512x768xf32>
    %mul3A_36 = arith.mulf %mul3A_35, %dot_general3A_24 : vector<512x768xf32>
    %add3A_37 = arith.addf %convert_element_type3A_31, %mul3A_36 : vector<512x768xf32>
    %get3A_38 = arith.constant 0 : index
    %get3A_39 = arith.constant 0 : index
    %get3A_40 = vector.load %arg1[%get3A_38, %get3A_39] : memref<512x768xf32, #tpu.memory_space<vmem>>, vector<512x768xf32>
    %add3A_41 = arith.addf %get3A_40, %add3A_37 : vector<512x768xf32>
    %get3A_42 = arith.constant 0 : index
    %get3A_43 = arith.constant 0 : index
    %get3A_44 = vector.load %arg9[%get3A_42, %get3A_43] : memref<1x768xf32, #tpu.memory_space<vmem>>, vector<1x768xf32>
    %mul3A_45 = arith.mulf %add3A_41, %add3A_41 : vector<512x768xf32>
    %reduce_sum3A = arith.constant dense<0.000000e+00> : vector<512xf32>
    %reduce_sum3A_46 = vector.multi_reduction <add>, %mul3A_45, %reduce_sum3A [1] : vector<512x768xf32> to vector<512xf32>
    %broadcast_in_dim3A = vector.shape_cast %reduce_sum3A_46 : vector<512xf32> to vector<512x1xf32>
    %div3A = arith.constant 7.680000e+02 : f32
    %div3A_47 = vector.broadcast %div3A : f32 to vector<512x1xf32>
    %div3A_48 = arith.divf %broadcast_in_dim3A, %div3A_47 : vector<512x1xf32>
    %add3A_49 = arith.constant 9.99999997E-7 : f32
    %add3A_50 = vector.broadcast %add3A_49 : f32 to vector<512x1xf32>
    %add3A_51 = arith.addf %div3A_48, %add3A_50 : vector<512x1xf32>
    %rsqrt3A = math.rsqrt %add3A_51 : vector<512x1xf32>
    %mul3A_52 = vector.broadcast %rsqrt3A : vector<512x1xf32> to vector<512x768xf32>
    %mul3A_53 = arith.mulf %add3A_41, %mul3A_52 : vector<512x768xf32>
    %mul3A_54 = vector.broadcast %get3A_44 : vector<1x768xf32> to vector<512x768xf32>
    %mul3A_55 = arith.mulf %mul3A_53, %mul3A_54 : vector<512x768xf32>
    %get3A_56 = arith.constant 0 : index
    %get3A_57 = arith.constant 0 : index
    %get3A_58 = vector.load %arg10[%get3A_56, %get3A_57] : memref<768x128xf32, #tpu.memory_space<vmem>>, vector<768x128xf32>
    %dot_general3A_59 = arith.constant dense<0.000000e+00> : vector<512x128xf32>
    %dot_general3A_60 = tpu.matmul %mul3A_55, %get3A_58, %dot_general3A_59 {dimension_numbers = #tpu.dot_dimension_numbers<[1], [0], [0], [1], [0, 0, 1, 1], [], []>, transpose_lhs_hint = false} : vector<512x768xf32>, vector<768x128xf32>, vector<512x128xf32> -> vector<512x128xf32>
    %slice3A = vector.extract_strided_slice %dot_general3A_60 {offsets = [0, 0], sizes = [512, 1], strides = [1, 1]} : vector<512x128xf32> to vector<512x1xf32>
    %get3A_61 = arith.constant 0 : index
    %get3A_62 = arith.constant 0 : index
    %get3A_63 = vector.load %arg11[%get3A_61, %get3A_62] : memref<1x1xf32, #tpu.memory_space<vmem>>, vector<1x1xf32>
    %add3A_64 = vector.broadcast %get3A_63 : vector<1x1xf32> to vector<512x1xf32>
    %add3A_65 = arith.addf %slice3A, %add3A_64 : vector<512x1xf32>
    %get3A_66 = arith.constant 0 : index
    %get3A_67 = arith.constant 0 : index
    %get3A_68 = vector.load %arg12[%get3A_66, %get3A_67] : memref<512x1xf32, #tpu.memory_space<vmem>>, vector<512x1xf32>
    %sub3A = arith.subf %add3A_65, %get3A_68 : vector<512x1xf32>
    %get3A_69 = arith.constant 0 : index
    %get3A_70 = arith.constant 0 : index
    %get3A_71 = vector.load %arg13[%get3A_69, %get3A_70] : memref<512x1xf32, #tpu.memory_space<vmem>>, vector<512x1xf32>
    %iota3A = tpu.iota {dimensions = array<i32: 1>} : vector<512x128xi32>
    %get3A_72 = arith.constant 0 : index
    %get3A_73 = arith.constant 0 : index
    %get3A_74 = vector.load %arg14[%get3A_72, %get3A_73] : memref<512x128xf32, #tpu.memory_space<vmem>>, vector<512x128xf32>
    %gt3A = arith.constant 0.000000e+00 : f32
    %gt3A_75 = vector.broadcast %gt3A : f32 to vector<512x128xf32>
    %gt3A_76 = arith.cmpf ogt, %get3A_74, %gt3A_75 : vector<512x128xf32>
    %lt3A = arith.constant 8 : i32
    %lt3A_77 = vector.broadcast %lt3A : i32 to vector<512x128xi32>
    %lt3A_78 = arith.cmpi slt, %iota3A, %lt3A_77 : vector<512x128xi32>
    %and3A = arith.andi %gt3A_76, %lt3A_78 : vector<512x128xi1>
    %convert_element_type3A_79 = arith.extui %and3A : vector<512x128xi1> to vector<512x128xi32>
    %convert_element_type3A_80 = arith.sitofp %convert_element_type3A_79 : vector<512x128xi32> to vector<512x128xf32>
    %get3A_81 = arith.constant 0 : index
    %get3A_82 = arith.constant 0 : index
    %get3A_83 = vector.load %arg16[%get3A_81, %get3A_82] : memref<4x128xf32, #tpu.memory_space<vmem>>, vector<1x1xf32>
    %mul3A_84 = arith.mulf %sub3A, %sub3A : vector<512x1xf32>
    %mul3A_85 = arith.mulf %mul3A_84, %get3A_71 : vector<512x1xf32>
    %reduce_sum3A_86 = vector.shape_cast %mul3A_85 : vector<512x1xf32> to vector<1x512x1xf32>
    %reduce_sum3A_87 = arith.constant dense<0.000000e+00> : vector<1xf32>
    %reduce_sum3A_88 = vector.multi_reduction <add>, %reduce_sum3A_86, %reduce_sum3A_87 [1, 2] : vector<1x512x1xf32> to vector<1xf32>
    %reduce_sum3A_89 = vector.shape_cast %reduce_sum3A_88 : vector<1xf32> to vector<1x1x1xf32>
    %reduce_sum3A_90 = vector.extract %reduce_sum3A_89[0, 0, 0] : f32 from vector<1x1x1xf32>
    %broadcast_in_dim3A_91 = vector.broadcast %reduce_sum3A_90 : f32 to vector<1x1xf32>
    %add3A_92 = arith.addf %get3A_83, %broadcast_in_dim3A_91 : vector<1x1xf32>
    %swap3A = arith.constant 0 : index
    %swap3A_93 = arith.constant 0 : index
    %swap3A_94 = vector.load %arg16[%swap3A, %swap3A_93] : memref<4x128xf32, #tpu.memory_space<vmem>>, vector<1x1xf32>
    tpu.vector_store %arg16[%swap3A, %swap3A_93], %add3A_92 {strides = array<i32>} : memref<4x128xf32, #tpu.memory_space<vmem>>, vector<1x1xf32>,
    %get3A_95 = arith.constant 1 : index
    %get3A_96 = arith.constant 0 : index
    %get3A_97 = vector.load %arg16[%get3A_95, %get3A_96] : memref<4x128xf32, #tpu.memory_space<vmem>>, vector<1x1xf32>
    %reduce_sum3A_98 = vector.shape_cast %get3A_71 : vector<512x1xf32> to vector<1x512x1xf32>
    %reduce_sum3A_99 = arith.constant dense<0.000000e+00> : vector<1xf32>
    %reduce_sum3A_100 = vector.multi_reduction <add>, %reduce_sum3A_98, %reduce_sum3A_99 [1, 2] : vector<1x512x1xf32> to vector<1xf32>
    %reduce_sum3A_101 = vector.shape_cast %reduce_sum3A_100 : vector<1xf32> to vector<1x1x1xf32>
    %reduce_sum3A_102 = vector.extract %reduce_sum3A_101[0, 0, 0] : f32 from vector<1x1x1xf32>
    %broadcast_in_dim3A_103 = vector.broadcast %reduce_sum3A_102 : f32 to vector<1x1xf32>
    %add3A_104 = arith.addf %get3A_97, %broadcast_in_dim3A_103 : vector<1x1xf32>
    %swap3A_105 = arith.constant 1 : index
    %swap3A_106 = arith.constant 0 : index
    %swap3A_107 = vector.load %arg16[%swap3A_105, %swap3A_106] : memref<4x128xf32, #tpu.memory_space<vmem>>, vector<1x1xf32>
    tpu.vector_store %arg16[%swap3A_105, %swap3A_106], %add3A_104 {strides = array<i32>} : memref<4x128xf32, #tpu.memory_space<vmem>>, vector<1x1xf32>,
    %get3A_108 = arith.constant 2 : index
    %get3A_109 = arith.constant 0 : index
    %get3A_110 = vector.load %arg16[%get3A_108, %get3A_109] : memref<4x128xf32, #tpu.memory_space<vmem>>, vector<1x128xf32>
    %reduce_sum3A_111 = arith.constant dense<0.000000e+00> : vector<128xf32>
    %reduce_sum3A_112 = vector.multi_reduction <add>, %convert_element_type3A_80, %reduce_sum3A_111 [0] : vector<512x128xf32> to vector<128xf32>
    %broadcast_in_dim3A_113 = vector.shape_cast %reduce_sum3A_112 : vector<128xf32> to vector<1x128xf32>
    %add3A_114 = arith.addf %get3A_110, %broadcast_in_dim3A_113 : vector<1x128xf32>
    %swap3A_115 = arith.constant 2 : index
    %swap3A_116 = arith.constant 0 : index
    %swap3A_117 = vector.load %arg16[%swap3A_115, %swap3A_116] : memref<4x128xf32, #tpu.memory_space<vmem>>, vector<1x128xf32>
    tpu.vector_store %arg16[%swap3A_115, %swap3A_116], %add3A_114 {strides = array<i32>} : memref<4x128xf32, #tpu.memory_space<vmem>>, vector<1x128xf32>,
    %get3A_118 = arith.constant 3 : index
    %get3A_119 = arith.constant 0 : index
    %get3A_120 = vector.load %arg16[%get3A_118, %get3A_119] : memref<4x128xf32, #tpu.memory_space<vmem>>, vector<1x128xf32>
    %get3A_121 = arith.constant 0 : index
    %get3A_122 = arith.constant 0 : index
    %get3A_123 = vector.load %arg15[%get3A_121, %get3A_122] : memref<512x128xf32, #tpu.memory_space<vmem>>, vector<512x128xf32>
    %reduce_sum3A_124 = arith.constant dense<0.000000e+00> : vector<128xf32>
    %reduce_sum3A_125 = vector.multi_reduction <add>, %get3A_123, %reduce_sum3A_124 [0] : vector<512x128xf32> to vector<128xf32>
    %broadcast_in_dim3A_126 = vector.shape_cast %reduce_sum3A_125 : vector<128xf32> to vector<1x128xf32>
    %add3A_127 = arith.addf %get3A_120, %broadcast_in_dim3A_126 : vector<1x128xf32>
    %swap3A_128 = arith.constant 3 : index
    %swap3A_129 = arith.constant 0 : index
    %swap3A_130 = vector.load %arg16[%swap3A_128, %swap3A_129] : memref<4x128xf32, #tpu.memory_space<vmem>>, vector<1x128xf32>
    tpu.vector_store %arg16[%swap3A_128, %swap3A_129], %add3A_127 {strides = array<i32>} : memref<4x128xf32, #tpu.memory_space<vmem>>, vector<1x128xf32>,
    %eq3A_131 = arith.constant 3 : i32
    %eq3A_132 = arith.cmpi eq, %arg0, %eq3A_131 : i32
    %convert_element_type3A_133 = arith.extui %eq3A_132 : i1 to i32
    %cond3A_134 = arith.constant 0 : i32
    %cond3A_135 = arith.cmpi ne, %convert_element_type3A_133, %cond3A_134 : i32
    scf.if %cond3A_135 {
      %get3A_136 = arith.constant 0 : index
      %get3A_137 = arith.constant 0 : index
      %get3A_138 = vector.load %arg16[%get3A_136, %get3A_137] : memref<4x128xf32, #tpu.memory_space<vmem>>, vector<1x1xf32>
      %get3A_139 = arith.constant 1 : index
      %get3A_140 = arith.constant 0 : index
      %get3A_141 = vector.load %arg16[%get3A_139, %get3A_140] : memref<4x128xf32, #tpu.memory_space<vmem>>, vector<1x1xf32>
      %max3A = arith.constant 1.000000e+00 : f32
      %max3A_142 = vector.broadcast %max3A : f32 to vector<1x1xf32>
      %max3A_143 = arith.maximumf %get3A_141, %max3A_142 : vector<1x1xf32>
      %div3A_144 = arith.divf %get3A_138, %max3A_143 : vector<1x1xf32>
      %iota3A_145 = tpu.iota {dimensions = array<i32: 1>} : vector<1x128xi32>
      %lt3A_146 = arith.constant 8 : i32
      %lt3A_147 = vector.broadcast %lt3A_146 : i32 to vector<1x128xi32>
      %lt3A_148 = arith.cmpi slt, %iota3A_145, %lt3A_147 : vector<1x128xi32>
      %get3A_149 = arith.constant 2 : index
      %get3A_150 = arith.constant 0 : index
      %get3A_151 = vector.load %arg16[%get3A_149, %get3A_150] : memref<4x128xf32, #tpu.memory_space<vmem>>, vector<1x128xf32>
      %get3A_152 = arith.constant 3 : index
      %get3A_153 = arith.constant 0 : index
      %get3A_154 = vector.load %arg16[%get3A_152, %get3A_153] : memref<4x128xf32, #tpu.memory_space<vmem>>, vector<1x128xf32>
      %mul3A_155 = arith.mulf %get3A_151, %get3A_154 : vector<1x128xf32>
      %jit3A = arith.constant 0.000000e+00 : f32
      %broadcast_in_dim3A_156 = vector.broadcast %jit3A : f32 to vector<1x128xf32>
      %select_n3A = arith.select %lt3A_148, %mul3A_155, %broadcast_in_dim3A_156 : vector<1x128xi1>, vector<1x128xf32>
      %reduce_sum3A_157 = vector.shape_cast %select_n3A : vector<1x128xf32> to vector<1x1x128xf32>
      %reduce_sum3A_158 = arith.constant dense<0.000000e+00> : vector<1xf32>
      %reduce_sum3A_159 = vector.multi_reduction <add>, %reduce_sum3A_157, %reduce_sum3A_158 [1, 2] : vector<1x1x128xf32> to vector<1xf32>
      %reduce_sum3A_160 = vector.shape_cast %reduce_sum3A_159 : vector<1xf32> to vector<1x1x1xf32>
      %reduce_sum3A_161 = vector.extract %reduce_sum3A_160[0, 0, 0] : f32 from vector<1x1x1xf32>
      %broadcast_in_dim3A_162 = vector.broadcast %reduce_sum3A_161 : f32 to vector<1x1xf32>
      %mul3A_163 = arith.constant 1.90734863E-6 : f32
      %mul3A_164 = vector.broadcast %mul3A_163 : f32 to vector<1x1xf32>
      %mul3A_165 = arith.mulf %mul3A_164, %broadcast_in_dim3A_162 : vector<1x1xf32>
      %mul3A_166 = arith.constant 2.000000e-02 : f32
      %mul3A_167 = vector.broadcast %mul3A_166 : f32 to vector<1x1xf32>
      %mul3A_168 = arith.mulf %mul3A_167, %mul3A_165 : vector<1x1xf32>
      %add3A_169 = arith.addf %div3A_144, %mul3A_168 : vector<1x1xf32>
      %swap3A_170 = arith.constant 0 : index
      %swap3A_171 = arith.constant 0 : index
      %swap3A_172 = vector.load %arg17[%swap3A_170, %swap3A_171] : memref<1x1xf32, #tpu.memory_space<vmem>>, vector<1x1xf32>
      tpu.vector_store %arg17[%swap3A_170, %swap3A_171], %add3A_169 {strides = array<i32>} : memref<1x1xf32, #tpu.memory_space<vmem>>, vector<1x1xf32>,
    } else {
    }
    return
  }
  func.func @transform_0(%arg0: i32) -> (i32, i32) {
    %c0_i32 = arith.constant 0 : i32
    %c0_i32_0 = arith.constant 0 : i32
    return %arg0, %c0_i32 : i32, i32
  }
  func.func @transform_1(%arg0: i32) -> (i32, i32) {
    %c0_i32 = arith.constant 0 : i32
    %c0_i32_0 = arith.constant 0 : i32
    return %arg0, %c0_i32 : i32, i32
  }
  func.func @transform_2(%arg0: i32) -> (i32, i32) {
    %c0_i32 = arith.constant 0 : i32
    %c0_i32_0 = arith.constant 0 : i32
    return %arg0, %c0_i32 : i32, i32
  }
  func.func @transform_3(%arg0: i32) -> (i32, i32) {
    %c0_i32 = arith.constant 0 : i32
    %c0_i32_0 = arith.constant 0 : i32
    return %arg0, %c0_i32 : i32, i32
  }
  func.func @transform_4(%arg0: i32) -> (i32, i32) {
    %c0_i32 = arith.constant 0 : i32
    %c0_i32_0 = arith.constant 0 : i32
    %c0_i32_1 = arith.constant 0 : i32
    return %c0_i32, %c0_i32_0 : i32, i32
  }
  func.func @transform_5(%arg0: i32) -> (i32, i32) {
    %c0_i32 = arith.constant 0 : i32
    %c0_i32_0 = arith.constant 0 : i32
    %c0_i32_1 = arith.constant 0 : i32
    return %c0_i32, %c0_i32_0 : i32, i32
  }
  func.func @transform_6(%arg0: i32) -> (i32, i32) {
    %c0_i32 = arith.constant 0 : i32
    %c0_i32_0 = arith.constant 0 : i32
    %c0_i32_1 = arith.constant 0 : i32
    return %c0_i32, %c0_i32_0 : i32, i32
  }
  func.func @transform_7(%arg0: i32) -> (i32, i32) {
    %c0_i32 = arith.constant 0 : i32
    %c0_i32_0 = arith.constant 0 : i32
    return %arg0, %c0_i32 : i32, i32
  }
  func.func @transform_8(%arg0: i32) -> (i32, i32) {
    %c0_i32 = arith.constant 0 : i32
    %c0_i32_0 = arith.constant 0 : i32
    %c0_i32_1 = arith.constant 0 : i32
    return %c0_i32, %c0_i32_0 : i32, i32
  }
  func.func @transform_9(%arg0: i32) -> (i32, i32) {
    %c0_i32 = arith.constant 0 : i32
    %c0_i32_0 = arith.constant 0 : i32
    %c0_i32_1 = arith.constant 0 : i32
    return %c0_i32, %c0_i32_0 : i32, i32
  }
  func.func @transform_10(%arg0: i32) -> (i32, i32) {
    %c0_i32 = arith.constant 0 : i32
    %c0_i32_0 = arith.constant 0 : i32
    %c0_i32_1 = arith.constant 0 : i32
    return %c0_i32, %c0_i32_0 : i32, i32
  }
  func.func @transform_11(%arg0: i32) -> (i32, i32) {
    %c0_i32 = arith.constant 0 : i32
    %c0_i32_0 = arith.constant 0 : i32
    return %arg0, %c0_i32 : i32, i32
  }
  func.func @transform_12(%arg0: i32) -> (i32, i32) {
    %c0_i32 = arith.constant 0 : i32
    %c0_i32_0 = arith.constant 0 : i32
    return %arg0, %c0_i32 : i32, i32
  }
  func.func @transform_13(%arg0: i32) -> (i32, i32) {
    %c0_i32 = arith.constant 0 : i32
    %c0_i32_0 = arith.constant 0 : i32
    return %arg0, %c0_i32 : i32, i32
  }
  func.func @transform_14(%arg0: i32) -> (i32, i32) {
    %c0_i32 = arith.constant 0 : i32
    %c0_i32_0 = arith.constant 0 : i32
    return %arg0, %c0_i32 : i32, i32
  }
  func.func @transform_15(%arg0: i32) -> (i32, i32) {
    %c0_i32 = arith.constant 0 : i32
    %c0_i32_0 = arith.constant 0 : i32
    %c0_i32_1 = arith.constant 0 : i32
    return %c0_i32, %c0_i32_0 : i32, i32
  }
  func.func @transform_16(%arg0: i32) -> (i32, i32) {
    %c0_i32 = arith.constant 0 : i32
    %c0_i32_0 = arith.constant 0 : i32
    %c0_i32_1 = arith.constant 0 : i32
    return %c0_i32, %c0_i32_0 : i32, i32
  }
}

</mosaic_0001>

<sc_bundles>
// kernel: kernel.10.cloned.1.call-start
scs
__scs_entry_jumppad:
0x0: {  	(pc) =	sbr.rel $0x88, $3  }
0x1: {  	(tag) =	ssettag $0x0;
	lr =	simm.s32 $0x1  }
0x2: {  	[smem:$0x3F8B] =	sst lr;
	_ =	strace $0xD0000000  }
0x3: {  	_ = 	snop  }
0x4: {  	_ = 	snop  }
0x5: {  	_ = 	snop  }
0x6: {  	_ = 	snop  }
0x7: {  	_ = 	snop  }
__scs_overlays_trampoline_lowered:
0x8: {  	[smem:$0x3F9A] =	sst s0  }
0x9: {  	[smem:$0x3F9B] =	sst s1  }
0xa: {  	[smem:$0x3F9C] =	sst s2  }
0xb: {  	[smem:$0x3F9D] =	sst s3  }
0xc: {  	[smem:$0x3F9E] =	sst s4  }
0xd: {  	[smem:$0x3F9F] =	sst s5  }
0xe: {  	[smem:$0x3FA0] =	sst s6  }
0xf: {  	[smem:$0x3FA1] =	sst s7  }
0x10: {  	[smem:$0x3FA2] =	sst s8  }
0x11: {  	[smem:$0x3FA3] =	sst s9;
	s0 =	simm.s32 @!p0 $0x0  }
0x12: {  	s1 =	sld [smem:$0x3F89];
	s0 =	simm.s32 @p0 $0x1  }
0x13: {  	[smem:$0x3FA4] =	sst s0;
	s0 =	simm.s32 @!p1 $0x0  }
0x14: {  	s2 =	sld [smem:$0x3F88];
	s0 =	simm.s32 @p1 $0x1  }
0x15: {  	[smem:$0x3FA5] =	sst s0;
	s0 =	simm.s32 @!p2 $0x0  }
0x16: {  	s3 =	sld [smem:$0x3FDB];
	s0 =	simm.s32 @p2 $0x1  }
0x17: {  	s4 =	simm.s32 $0x1BF5;
	[smem:$0x3FA7] =	sst s0  }
0x18: {  	s0 =	sld [smem:$0x3F8A];
	_ =	swait.ge [sflag:s4], $0x0  }
0x19: {  	s7 =	sld [smem:$0x3F8B]  }
0x1a: {  	s8 =	sadd.s32 $0xFFFFE003, lr  }
0x1b: {  	s9 =	sadd.s32 $0xFFFFFEF7, lr;
	s5 =	simm.s32 $0xFFFFFFFF;
	p2 =	slt.u32 s8, $0xFFFFF086  }
0x1c: {  	p1 =	slt.u32 s9, $0xF7A;
	s5 =	simm.s32 @!p2 $0x0  }
0x1d: {  	s5 =	simm.s32 @p1 $0x1;
	p0 =	seq.s32 s7, s2  }
0x1e: {  	s7 =	smul.u32 @!p0 $0xF7A, s2;
	p2 =	seq.s32 @!p0 s5, $0x0  }
0x1f: {  	s9 =	smul.u32 $0xF7A, s1;
	s8 =	simm.s32 @!p0 $0x1BF5;
	p2 =	por !p2, p0  }
0x20: {  	[sflag:s8] =	ssyncset.s32 @!p0 $0xFFFFF086;
	s6 =	sadd.s32 @!p0 s3, s7;
	s7 =	simm.s32 @!p0 $0x108  }
0x21: {  	s3 =	sadd.s32 s3, s9;
	s6 =	sadd.s32 @!p0 $0x88, s6;
	s7 =	simm.s32 @p2 $0x1082  }
0x22: {  	[simem:s7], [sflag:s8] =	dma.local @!p0 [hbm:s6], $0xF7A  }
0x23: {  	s9 =	sor.u32 $0xD0000000, s2;
	s6 =	simm.s32 $0x108;
	_ =	swait.ge @!p0 [sflag:s8], $0x0  }
0x24: {  	s3 =	sadd.s32 $0x88, s3;
	s6 =	simm.s32 @!p1 $0x1082;
	[sflag:s4] =	ssyncset.s32 $0xFFFFF086  }
0x25: {  	[simem:s6], [sflag:s4] =	dma.local [hbm:s3], $0xF7A  }
0x26: {  	[smem:$0x3F8B] =	sst s1;
	(tag) =	ssettag s2;
	_ =	strace s9  }
0x27: {  	s1 =	sld [smem:$0x3F9B]  }
0x28: {  	s2 =	sld [smem:$0x3F9C]  }
0x29: {  	s4 =	sld [smem:$0x3F9E]  }
0x2a: {  	p0 =	seq.s32 s5, $0x0;
	s5 =	sld [smem:$0x3F9F]  }
0x2b: {  	s6 =	sld [smem:$0x3FA0]  }
0x2c: {  	s7 =	sld [smem:$0x3FA1]  }
0x2d: {  	s3 =	simm.s32 $0x108;
	s8 =	sld [smem:$0x3FA2]  }
0x2e: {  	s3 =	simm.s32 @!p0 $0x1082;
	s9 =	sld [smem:$0x3FA3]  }
0x2f: {  	lr =	sadd.s32 s0, s3;
	s0 =	sld [smem:$0x3F9A]  }
0x30: {  	s3 =	sld [smem:$0x3F9D]  }
0x31: {  	[smem:$0x3FA6] =	sst s10  }
0x32: {  	s10 =	sld [smem:$0x3FA4];
	_ =	sdelay $0x3  }
0x33: {  	p0 =	seq.s32 s10, $0x1;
	s10 =	sld [smem:$0x3FA6];
	_ =	sdelay $0x3  }
0x34: {  	[smem:$0x3FA6] =	sst s10  }
0x35: {  	s10 =	sld [smem:$0x3FA5];
	_ =	sdelay $0x3  }
0x36: {  	p1 =	seq.s32 s10, $0x1;
	s10 =	sld [smem:$0x3FA6];
	_ =	sdelay $0x3  }
0x37: {  	[smem:$0x3FA6] =	sst s10  }
0x38: {  	s10 =	sld [smem:$0x3FA7]  }
0x39: {  	_ = 	snop;
	(pc) =	sbr.ind lr, $3  }
0x3a: {  	_ = 	snop  }
0x3b: {  	_ = 	snop  }
0x3c: {  	p2 =	seq.s32 s10, $0x1;
	s10 =	sld [smem:$0x3FA6]  }
0x3d: {  	_ =	shalt  }
0x3e: {  	_ =	shalt  }
0x3f: {  	_ =	shalt  }
0x40: {  	_ =	shalt  }
0x41: {  	_ =	shalt  }
0x42: {  	_ =	shalt  }
0x43: {  	_ =	shalt  }
0x44: {  	_ =	shalt  }
0x45: {  	_ =	shalt  }
0x46: {  	_ =	shalt  }
0x47: {  	_ =	shalt  }
0x48: {  	_ =	shalt  }
0x49: {  	_ =	shalt  }
0x4a: {  	_ =	shalt  }
0x4b: {  	_ =	shalt  }
0x4c: {  	_ =	shalt  }
0x4d: {  	_ =	shalt  }
0x4e: {  	_ =	shalt  }
0x4f: {  	_ =	shalt  }
0x50: {  	_ =	shalt  }
0x51: {  	_ =	shalt  }
0x52: {  	_ =	shalt  }
0x53: {  	_ =	shalt  }
0x54: {  	_ =	shalt  }
0x55: {  	_ =	shalt  }
0x56: {  	_ =	shalt  }
0x57: {  	_ =	shalt  }
0x58: {  	_ =	shalt  }
0x59: {  	_ =	shalt  }
0x5a: {  	_ =	shalt  }
0x5b: {  	_ =	shalt  }
0x5c: {  	_ =	shalt  }
0x5d: {  	_ =	shalt  }
0x5e: {  	_ =	shalt  }
0x5f: {  	_ =	shalt  }
0x60: {  	_ =	shalt  }
0x61: {  	_ =	shalt  }
0x62: {  	_ =	shalt  }
0x63: {  	_ =	shalt  }
0x64: {  	_ =	shalt  }
0x65: {  	_ =	shalt  }
0x66: {  	_ =	shalt  }
0x67: {  	_ =	shalt  }
0x68: {  	_ =	shalt  }
0x69: {  	_ =	shalt  }
0x6a: {  	_ =	shalt  }
0x6b: {  	_ =	shalt  }
0x6c: {  	_ =	shalt  }
0x6d: {  	_ =	shalt  }
0x6e: {  	_ =	shalt  }
0x6f: {  	_ =	shalt  }
0x70: {  	_ =	shalt  }
0x71: {  	_ =	shalt  }
0x72: {  	_ =	shalt  }
0x73: {  	_ =	shalt  }
0x74: {  	_ =	shalt  }
0x75: {  	_ =	shalt  }
0x76: {  	_ =	shalt  }
0x77: {  	_ =	shalt  }
0x78: {  	_ =	shalt  }
0x79: {  	_ =	shalt  }
0x7a: {  	_ =	shalt  }
0x7b: {  	_ =	shalt  }
0x7c: {  	_ =	shalt  }
0x7d: {  	_ =	shalt  }
0x7e: {  	_ =	shalt  }
0x7f: {  	_ =	shalt  }
0x80: {  	_ =	shalt  }
0x81: {  	_ =	shalt  }
0x82: {  	_ =	shalt  }
0x83: {  	_ =	shalt  }
0x84: {  	_ =	shalt  }
0x85: {  	_ =	shalt  }
0x86: {  	_ =	shalt  }
0x87: {  	_ =	shalt  }
.Lfunc_end0:
.L_simem_size_0:
called_computation_lowered:
.L_overlay_start_0:
0x88: {  	s2 =	sld [smem:$0x3FD9]  }
0x89: {  	s3 =	sld [smem:$0x3FFE];
	_ =	sdelay $0x1  }
0x8a: {  	s1 =	srdreg.scid  }
0x8b: {  	s0 =	sand.u32 $0x1, s1  }
0x8c: {  	s16 =	sshll.u32 s0, $0xA;
	s2 =	sadd.s32 s3, s2  }
0x8d: {  	s2 =	sadd.s32 s2, s16  }
0x8e: {  	[smem:$0x3FB2] =	sst s2  }
0x8f: {  	_ = 	snop  }
0x90: {  	(tm) =	ssettm $0x1  }
0x91: {  	s17 =	sld [smem:$0x3FFB];
	_ =	sdelay $0x3  }
0x92: {  	_ =	strace s17  }
0x93: {  	s2 =	sld [smem:$0x3FFC];
	_ =	sdelay $0x3  }
0x94: {  	_ =	strace s2  }
0x95: {  	s2 =	sld [smem:$0x3FFD];
	_ =	sdelay $0x3  }
0x96: {  	_ =	strace s2  }
0x97: {  	_ =	strace $0x8FFFFFFF  }
0x98: {  	s18 =	sld [smem:$0x3FDB];
	_ =	sdelay $0x1  }
0x99: {  	s19 =	simm.s32 $_scs_section_size  }
0x9a: {  	s4 =	simm.s32 $_size__tile_overlayer_lowered;
	s5 =	simm.s32 $_tile_overlayer_lowered  }
0x9b: {  	s22 =	simm.s32 $0x1BFF;
	s21 =	sshll.u32 s5, $0x1;
	s2 =	sadd.s32 s19, s18  }
0x9c: {  	s6 =	simm.s32 $0x0;
	s20 =	sshll.u32 s4, $0x1;
	s4 =	sadd.s32 s21, s2  }
0x9d: {  	[timem:s6], [sflag:s22] =	dma.local [hbm:s4], s20  }
0x9e: {  	_ =	swait.ge [sflag:s22], s20  }
0x9f: {  	s3 =	ssub.s32 $0x0, s20;
	[sflag:s22] =	ssyncset.done $0x0  }
0xa0: {  	[sflag:s22] =	ssyncadd.s32 s3;
	_ =	sdelay $0x1  }
0xa1: {  	s23 =	simm.s32 $0x1B8B  }
0xa2: {  	_ =	swait.ge [sflag:s23], $0x1  }
0xa3: {  	[sflag:s23] =	ssyncset.done $0x0  }
0xa4: {  	s25 =	simm.s32 $0x1B8E;
	s24 =	sld [smem:$0x3FFE];
	[sflag:s23] =	ssyncadd.s32 $0xFFFFFFFF  }
0xa5: {  	s26 =	simm.s32 $execute0_lowered;
	[smem:$0x3FD2] =	sst s25  }
0xa6: {  	s4 =	sshll.u32 s26, $0x1;
	_ =	strace $0x80000046;
	[dreg:$0x1] =	wrdreg $0xFFFFFFFF  }
0xa7: {  	s28 =	simm.s32 $_size_execute0_lowered;
	s2 =	sadd.s32 s2, s4;
	[dreg:$0x0] =	wrdreg $0x0  }
0xa8: {  	s4 =	sshll.u32 s28, $0x1;
	[dreg:$0x2] =	wrdreg s2  }
0xa9: {  	[dreg:$0x3] =	wrdreg s4  }
0xaa: {  	[dreg:$0x4] =	wrdreg $0xC0  }
0xab: {  	_ =	task [dreg:s6], $0x5FFFF  }
0xac: {  	[dreg:$0x1] =	wrdreg $0xFFFFFFFF  }
0xad: {  	[dreg:$0x0] =	wrdreg $0x60  }
0xae: {  	[dreg:$0x2] =	wrdreg s24  }
0xaf: {  	[dreg:$0x3] =	wrdreg $0x9  }
0xb0: {  	_ =	task.clear_ibuf [dreg:s6], $0x4FFFF;
	_ =	strace $0x90000046  }
0xb1: {  	s29 =	simm.s32 $0x9;
	_ =	strace $0x80000048  }
0xb2: {  	_ =	swait.ge [sflag:s29], $0x1  }
0xb3: {  	[sflag:s29] =	ssyncadd.s32 $0xFFFFFFFF  }
0xb4: {  	_ =	strace $0x90000048  }
0xb5: {  	_ =	sfence  }
0xb6: {  	s30 =	sld [smem:$0x0];
	_ =	sdelay $0x2  }
0xb7: {  	s31 =	sshll.u32 s1, $0xD;
	s1 =	sshrl.u32 s1, $0x2  }
0xb8: {  	s3 =	sand.u32 $0x4000, s31;
	s1 =	sadd.s32 s1, s30  }
0xb9: {  	s0 =	sor.u32 s3, s0;
	s1 =	sshll.u32 s1, $0x11  }
0xba: {  	s0 =	sor.u32 s1, s0  }
0xbb: {  	s0 =	sadd.s32 $0x8F2B, s0  }
0xbc: {  	[sflag:s0] =	ssyncadd.remote.s32 $0x1  }
0xbd: {  	_ =	sfence.sel $0xFFFF  }
0xbe: {  	[dreg:$0x0] =	wrdreg $0xFFFFFFFF;
	(pc) =	sbr.abs _section_cstart, $3  }
0xbf: {  	[dreg:$0x1] =	wrdreg $0xFFFFFFFF  }
0xc0: {  	_ =	task.clear_ibuf [dreg:s6], $0x2FFFF;
	_ =	strace $0x9FFFFFFF  }
0xc1: {  	(tm) =	ssettm $0x7FFFFFFF  }
tec
execute0_lowered:
.L_overlay_start_1:
0x0: {  	(tag) =	ssettag $0x1  }
0x1: {  	s1 =	srdreg.scid  }
0x2: {  	s0 =	stileid.u32;
	s4 =	rddreg [dreg:$0x0]  }
0x3: {  	s8 =	simm.s32 $0x880;
	s9 =	simm.s32 $0xC80;
	s10 =	simm.s32 $0x1480  }
0x4: {  	s11 =	simm.s32 $0x1880;
	s12 =	simm.s32 $0x2080;
	s13 =	simm.s32 $0x2480  }
0x5: {  	s14 =	simm.s32 $0x2C80;
	s15 =	simm.s32 $0x3080;
	s16 =	simm.s32 $0x3880  }
0x6: {  	s17 =	simm.s32 $0x3C80;
	s18 =	simm.s32 $0x4480;
	s19 =	simm.s32 $0x4880  }
0x7: {  	s20 =	simm.s32 $0x5080;
	s21 =	simm.s32 $0x5480;
	s22 =	simm.s32 $0x5C80  }
0x8: {  	s23 =	simm.s32 $0x6080;
	s1 =	sand.u32 $0x1, s1;
	s2 =	sshll.u32 s0, $0x1  }
0x9: {  	s24 =	simm.s32 $0x6880;
	s28 =	simm.s32 $0x7880;
	s2 =	sor.u32 s1, s2  }
0xa: {  	s29 =	simm.s32 $0x8080;
	s1 =	ssub.s32 $0x2, s1;
	s2 =	smul.u32 $0xC0, s2  }
0xb: {  	s30 =	simm.s32 $0x8480;
	s31 =	simm.s32 $0x8C80;
	s26 =	sshrl.u32 s1, $0x1  }
0xc: {  	s1 =	ssub.s32 s1, s26;
	s3 =	sshrl.u32 s2, $0x3;
	s2 =	simm.s32 $0x0  }
0xd: {  	s5 =	smul.u32 $0x180, s3;
	[smem:$0x7FF] =	sst s2;
	s6 =	sadd.s32 s3, s4  }
0xe: {  	s26 =	simm.s32 $0x7480;
	_ =	strace $0x80000047;
	s7 =	sadd.s32 $0x72C00, s6  }
0xf: {  	s6 =	sadd.s32 $0x72C0C, s6;
	s5 =	sadd.s32 s5, s4;
	[dreg:$0x2] =	wrdreg s7  }
0x10: {  	s3 =	sadd.s32 $0x5AC00, s4;
	[dreg:$0x4] =	wrdreg s6;
	s25 =	sadd.s32 $0x73000, s5  }
0x11: {  	v2 =	vlaneseq.u32;
	s4 =	sadd.s32 $0x5AD00, s4;
	s5 =	sadd.s32 $0x74200, s5;
	[dreg:$0x3] =	wrdreg s25  }
0x12: {  	vm0 =	vmmov $0xffff;
	vm1 =	vmmov $0xff;
	v1 =	vshrl.u32 v2, $0x3;
	s6 =	simm.s32 $0x2;
	s7 =	simm.s32 $0x80;
	[dreg:$0x5] =	wrdreg s5  }
0x13: {  	v0 =	vand.u32 $0x7, v2;
	v2 =	vor.u32 $0x8, v2;
	v1 =	vmul.u32 $0x8, v1;
	s5 =	smax.u32 s1, $0x1;
	s25 =	simm.s32 $0x6C80;
	s1 =	simm.s32 $0x1  }
.LBB2_1:
0x14: {  	s0 =	rddreg [dreg:$0x2]  }
0x15: {  	[tilespmem:s2], [sflag:$0x2] =	stream.linear.gather [hbm4b:s0+s2], $0x60, $0x38;
	[tilespmem:$0x9080] =	vst v63  }
0x16: {  	_ =	swait.ge [sflag:s6], $0x60  }
0x17: {  	[sflag:s6] =	ssyncset.done $0x0  }
0x18: {  	[sflag:s6] =	ssyncadd.s32 $0xFFFFFFA0  }
0x19: {  	v3 =	vld [tilespmem:$0x0];
	_ =	sdelay $0x4  }
0x1a: {  	v4 =	vshrl.u32 v3, $0x3  }
0x1b: {  	v4 =	vmul.u32 $0x18, v4  }
0x1c: {  	v3 =	vand.u32 $0x7, v3  }
0x1d: {  	v3 =	vor.u32 v3, v4  }
0x1e: {  	v4 =	vperm.xlane v3, v0;
	_ =	sdelay $0x1  }
0x1f: {  	v4 =	vadd.s32 v1, v4;
	_ =	sdelay $0x1  }
0x20: {  	v3 =	vperm.xlane v3, v2;
	_ =	sdelay $0x1  }
0x21: {  	v3 =	vadd.s32 v1, v3  }
0x22: {  	[tilespmem:s7], [sflag:$0x1] =	stream.indirect_vreg.gather [hbm4b:s3+s2], $0x80, v4, vm0, $0xb8;
	[tilespmem:$0x9080] =	vst v63  }
0x23: {  	_ = 	snop  }
0x24: {  	[tilespmem:s8], [sflag:$0x1] =	stream.indirect_vreg.gather [hbm4b:s4+s2], $0x80, v4, vm1, $0xb8;
	[tilespmem:$0x9080] =	vst v63  }
0x25: {  	_ = 	snop  }
0x26: {  	[tilespmem:s9], [sflag:$0x1] =	stream.indirect_vreg.gather [hbm4b:s3+s2], $0x80, v3, vm0, $0xb8;
	[tilespmem:$0x9080] =	vst v63  }
0x27: {  	_ = 	snop  }
0x28: {  	[tilespmem:s10], [sflag:$0x1] =	stream.indirect_vreg.gather [hbm4b:s4+s2], $0x80, v3, vm1, $0xb8;
	[tilespmem:$0x9080] =	vst v63  }
0x29: {  	v3 =	vld [tilespmem:$0x10];
	_ =	sdelay $0x4  }
0x2a: {  	v53 =	vshrl.u32 v3, $0x3  }
0x2b: {  	v4 =	vmul.u32 $0x18, v53  }
0x2c: {  	v3 =	vand.u32 $0x7, v3  }
0x2d: {  	v3 =	vor.u32 v3, v4  }
0x2e: {  	v4 =	vperm.xlane v3, v0;
	_ =	sdelay $0x1  }
0x2f: {  	v4 =	vadd.s32 v1, v4;
	_ =	sdelay $0x1  }
0x30: {  	v3 =	vperm.xlane v3, v2;
	_ =	sdelay $0x1  }
0x31: {  	v3 =	vadd.s32 v1, v3  }
0x32: {  	[tilespmem:s11], [sflag:$0x1] =	stream.indirect_vreg.gather [hbm4b:s3+s2], $0x80, v4, vm0, $0xb8;
	[tilespmem:$0x9080] =	vst v63  }
0x33: {  	_ = 	snop  }
0x34: {  	[tilespmem:s12], [sflag:$0x1] =	stream.indirect_vreg.gather [hbm4b:s4+s2], $0x80, v4, vm1, $0xb8;
	[tilespmem:$0x9080] =	vst v63  }
0x35: {  	_ = 	snop  }
0x36: {  	[tilespmem:s13], [sflag:$0x1] =	stream.indirect_vreg.gather [hbm4b:s3+s2], $0x80, v3, vm0, $0xb8;
	[tilespmem:$0x9080] =	vst v63  }
0x37: {  	_ = 	snop  }
0x38: {  	[tilespmem:s14], [sflag:$0x1] =	stream.indirect_vreg.gather [hbm4b:s4+s2], $0x80, v3, vm1, $0xb8;
	[tilespmem:$0x9080] =	vst v63  }
0x39: {  	v3 =	vld [tilespmem:$0x20];
	_ =	sdelay $0x4  }
0x3a: {  	v54 =	vshrl.u32 v3, $0x3  }
0x3b: {  	v4 =	vmul.u32 $0x18, v54  }
0x3c: {  	v3 =	vand.u32 $0x7, v3  }
0x3d: {  	v3 =	vor.u32 v3, v4  }
0x3e: {  	v4 =	vperm.xlane v3, v0;
	_ =	sdelay $0x1  }
0x3f: {  	v4 =	vadd.s32 v1, v4;
	_ =	sdelay $0x1  }
0x40: {  	v3 =	vperm.xlane v3, v2;
	_ =	sdelay $0x1  }
0x41: {  	v3 =	vadd.s32 v1, v3  }
0x42: {  	[tilespmem:s15], [sflag:$0x1] =	stream.indirect_vreg.gather [hbm4b:s3+s2], $0x80, v4, vm0, $0xb8;
	[tilespmem:$0x9080] =	vst v63  }
0x43: {  	_ = 	snop  }
0x44: {  	[tilespmem:s16], [sflag:$0x1] =	stream.indirect_vreg.gather [hbm4b:s4+s2], $0x80, v4, vm1, $0xb8;
	[tilespmem:$0x9080] =	vst v63  }
0x45: {  	_ = 	snop  }
0x46: {  	[tilespmem:s17], [sflag:$0x1] =	stream.indirect_vreg.gather [hbm4b:s3+s2], $0x80, v3, vm0, $0xb8;
	[tilespmem:$0x9080] =	vst v63  }
0x47: {  	_ = 	snop  }
0x48: {  	[tilespmem:s18], [sflag:$0x1] =	stream.indirect_vreg.gather [hbm4b:s4+s2], $0x80, v3, vm1, $0xb8;
	[tilespmem:$0x9080] =	vst v63  }
0x49: {  	v3 =	vld [tilespmem:$0x30];
	_ =	sdelay $0x4  }
0x4a: {  	v55 =	vshrl.u32 v3, $0x3  }
0x4b: {  	v4 =	vmul.u32 $0x18, v55  }
0x4c: {  	v3 =	vand.u32 $0x7, v3  }
0x4d: {  	v3 =	vor.u32 v3, v4  }
0x4e: {  	v4 =	vperm.xlane v3, v0;
	_ =	sdelay $0x1  }
0x4f: {  	v4 =	vadd.s32 v1, v4;
	_ =	sdelay $0x1  }
0x50: {  	v3 =	vperm.xlane v3, v2;
	_ =	sdelay $0x1  }
0x51: {  	v3 =	vadd.s32 v1, v3  }
0x52: {  	[tilespmem:s19], [sflag:$0x1] =	stream.indirect_vreg.gather [hbm4b:s3+s2], $0x80, v4, vm0, $0xb8;
	[tilespmem:$0x9080] =	vst v63  }
0x53: {  	_ = 	snop  }
0x54: {  	[tilespmem:s20], [sflag:$0x1] =	stream.indirect_vreg.gather [hbm4b:s4+s2], $0x80, v4, vm1, $0xb8;
	[tilespmem:$0x9080] =	vst v63  }
0x55: {  	_ = 	snop  }
0x56: {  	[tilespmem:s21], [sflag:$0x1] =	stream.indirect_vreg.gather [hbm4b:s3+s2], $0x80, v3, vm0, $0xb8;
	[tilespmem:$0x9080] =	vst v63  }
0x57: {  	_ = 	snop  }
0x58: {  	[tilespmem:s22], [sflag:$0x1] =	stream.indirect_vreg.gather [hbm4b:s4+s2], $0x80, v3, vm1, $0xb8;
	[tilespmem:$0x9080] =	vst v63  }
0x59: {  	v3 =	vld [tilespmem:$0x40];
	_ =	sdelay $0x4  }
0x5a: {  	v56 =	vshrl.u32 v3, $0x3  }
0x5b: {  	v4 =	vmul.u32 $0x18, v56  }
0x5c: {  	v3 =	vand.u32 $0x7, v3  }
0x5d: {  	v3 =	vor.u32 v3, v4  }
0x5e: {  	v4 =	vperm.xlane v3, v0;
	_ =	sdelay $0x1  }
0x5f: {  	v4 =	vadd.s32 v1, v4;
	_ =	sdelay $0x1  }
0x60: {  	v3 =	vperm.xlane v3, v2;
	_ =	sdelay $0x1  }
0x61: {  	v3 =	vadd.s32 v1, v3  }
0x62: {  	[tilespmem:s23], [sflag:$0x1] =	stream.indirect_vreg.gather [hbm4b:s3+s2], $0x80, v4, vm0, $0xb8;
	[tilespmem:$0x9080] =	vst v63  }
0x63: {  	_ = 	snop  }
0x64: {  	[tilespmem:s24], [sflag:$0x1] =	stream.indirect_vreg.gather [hbm4b:s4+s2], $0x80, v4, vm1, $0xb8;
	[tilespmem:$0x9080] =	vst v63  }
0x65: {  	_ = 	snop  }
0x66: {  	[tilespmem:s25], [sflag:$0x1] =	stream.indirect_vreg.gather [hbm4b:s3+s2], $0x80, v3, vm0, $0xb8;
	[tilespmem:$0x9080] =	vst v63  }
0x67: {  	_ = 	snop  }
0x68: {  	[tilespmem:s26], [sflag:$0x1] =	stream.indirect_vreg.gather [hbm4b:s4+s2], $0x80, v3, vm1, $0xb8;
	[tilespmem:$0x9080] =	vst v63  }
0x69: {  	v3 =	vld [tilespmem:$0x50];
	_ =	sdelay $0x4  }
0x6a: {  	v57 =	vshrl.u32 v3, $0x3  }
0x6b: {  	v4 =	vmul.u32 $0x18, v57  }
0x6c: {  	v3 =	vand.u32 $0x7, v3  }
0x6d: {  	v3 =	vor.u32 v3, v4  }
0x6e: {  	v4 =	vperm.xlane v3, v0;
	_ =	sdelay $0x1  }
0x6f: {  	v4 =	vadd.s32 v1, v4;
	_ =	sdelay $0x1  }
0x70: {  	v3 =	vperm.xlane v3, v2;
	_ =	sdelay $0x1  }
0x71: {  	v3 =	vadd.s32 v1, v3  }
0x72: {  	[tilespmem:s28], [sflag:$0x1] =	stream.indirect_vreg.gather [hbm4b:s3+s2], $0x80, v4, vm0, $0xb8;
	[tilespmem:$0x9080] =	vst v63  }
0x73: {  	_ = 	snop  }
0x74: {  	[tilespmem:s29], [sflag:$0x1] =	stream.indirect_vreg.gather [hbm4b:s4+s2], $0x80, v4, vm1, $0xb8;
	[tilespmem:$0x9080] =	vst v63  }
0x75: {  	_ = 	snop  }
0x76: {  	[tilespmem:s30], [sflag:$0x1] =	stream.indirect_vreg.gather [hbm4b:s3+s2], $0x80, v3, vm0, $0xb8;
	[tilespmem:$0x9080] =	vst v63  }
0x77: {  	_ = 	snop  }
0x78: {  	[tilespmem:s31], [sflag:$0x1] =	stream.indirect_vreg.gather [hbm4b:s4+s2], $0x80, v3, vm1, $0xb8;
	[tilespmem:$0x9080] =	vst v63  }
0x79: {  	_ =	swait.ge [sflag:s1], $0x9000  }
0x7a: {  	[sflag:s1] =	ssyncset.done $0x0  }
0x7b: {  	s0 =	rddreg [dreg:$0x3];
	[sflag:s1] =	ssyncadd.s32 $0xFFFF7000  }
0x7c: {  	[hbm4b:s0+s2] =	stream.linear.scatter [tilespmem:s7], [sflag:$0x2], $0x9000, $0x38;
	[tilespmem:$0x9080] =	vst v63  }
0x7d: {  	_ =	swait.ge [sflag:s6], $0x9000  }
0x7e: {  	[sflag:s6] =	ssyncset.done $0x0  }
0x7f: {  	s0 =	rddreg [dreg:$0x4];
	[sflag:s6] =	ssyncadd.s32 $0xFFFF7000  }
0x80: {  	[tilespmem:s2], [sflag:$0x2] =	stream.linear.gather [hbm4b:s0+s2], $0x60, $0x38;
	[tilespmem:$0x9080] =	vst v63  }
0x81: {  	_ =	swait.ge [sflag:s6], $0x60  }
0x82: {  	[sflag:s6] =	ssyncset.done $0x0  }
0x83: {  	[sflag:s6] =	ssyncadd.s32 $0xFFFFFFA0  }
0x84: {  	v3 =	vld [tilespmem:$0x0];
	_ =	sdelay $0x4  }
0x85: {  	v58 =	vshrl.u32 v3, $0x3  }
0x86: {  	v4 =	vmul.u32 $0x18, v58  }
0x87: {  	v3 =	vand.u32 $0x7, v3  }
0x88: {  	v3 =	vor.u32 v3, v4  }
0x89: {  	v4 =	vperm.xlane v3, v0;
	_ =	sdelay $0x1  }
0x8a: {  	v4 =	vadd.s32 v1, v4;
	_ =	sdelay $0x1  }
0x8b: {  	v3 =	vperm.xlane v3, v2;
	_ =	sdelay $0x1  }
0x8c: {  	v3 =	vadd.s32 v1, v3  }
0x8d: {  	[tilespmem:s7], [sflag:$0x1] =	stream.indirect_vreg.gather [hbm4b:s3+s2], $0x80, v4, vm0, $0xb8;
	[tilespmem:$0x9080] =	vst v63  }
0x8e: {  	_ = 	snop  }
0x8f: {  	[tilespmem:s8], [sflag:$0x1] =	stream.indirect_vreg.gather [hbm4b:s4+s2], $0x80, v4, vm1, $0xb8;
	[tilespmem:$0x9080] =	vst v63  }
0x90: {  	_ = 	snop  }
0x91: {  	[tilespmem:s9], [sflag:$0x1] =	stream.indirect_vreg.gather [hbm4b:s3+s2], $0x80, v3, vm0, $0xb8;
	[tilespmem:$0x9080] =	vst v63  }
0x92: {  	_ = 	snop  }
0x93: {  	[tilespmem:s10], [sflag:$0x1] =	stream.indirect_vreg.gather [hbm4b:s4+s2], $0x80, v3, vm1, $0xb8;
	[tilespmem:$0x9080] =	vst v63  }
0x94: {  	v3 =	vld [tilespmem:$0x10];
	_ =	sdelay $0x4  }
0x95: {  	v59 =	vshrl.u32 v3, $0x3  }
0x96: {  	v4 =	vmul.u32 $0x18, v59  }
0x97: {  	v3 =	vand.u32 $0x7, v3  }
0x98: {  	v3 =	vor.u32 v3, v4  }
0x99: {  	v4 =	vperm.xlane v3, v0;
	_ =	sdelay $0x1  }
0x9a: {  	v4 =	vadd.s32 v1, v4;
	_ =	sdelay $0x1  }
0x9b: {  	v3 =	vperm.xlane v3, v2;
	_ =	sdelay $0x1  }
0x9c: {  	v3 =	vadd.s32 v1, v3  }
0x9d: {  	[tilespmem:s11], [sflag:$0x1] =	stream.indirect_vreg.gather [hbm4b:s3+s2], $0x80, v4, vm0, $0xb8;
	[tilespmem:$0x9080] =	vst v63  }
0x9e: {  	_ = 	snop  }
0x9f: {  	[tilespmem:s12], [sflag:$0x1] =	stream.indirect_vreg.gather [hbm4b:s4+s2], $0x80, v4, vm1, $0xb8;
	[tilespmem:$0x9080] =	vst v63  }
0xa0: {  	_ = 	snop  }
0xa1: {  	[tilespmem:s13], [sflag:$0x1] =	stream.indirect_vreg.gather [hbm4b:s3+s2], $0x80, v3, vm0, $0xb8;
	[tilespmem:$0x9080] =	vst v63  }
0xa2: {  	_ = 	snop  }
0xa3: {  	[tilespmem:s14], [sflag:$0x1] =	stream.indirect_vreg.gather [hbm4b:s4+s2], $0x80, v3, vm1, $0xb8;
	[tilespmem:$0x9080] =	vst v63  }
0xa4: {  	v3 =	vld [tilespmem:$0x20];
	_ =	sdelay $0x4  }
0xa5: {  	v60 =	vshrl.u32 v3, $0x3  }
0xa6: {  	v4 =	vmul.u32 $0x18, v60  }
0xa7: {  	v3 =	vand.u32 $0x7, v3  }
0xa8: {  	v3 =	vor.u32 v3, v4  }
0xa9: {  	v4 =	vperm.xlane v3, v0;
	_ =	sdelay $0x1  }
0xaa: {  	v4 =	vadd.s32 v1, v4;
	_ =	sdelay $0x1  }
0xab: {  	v3 =	vperm.xlane v3, v2;
	_ =	sdelay $0x1  }
0xac: {  	v3 =	vadd.s32 v1, v3  }
0xad: {  	[tilespmem:s15], [sflag:$0x1] =	stream.indirect_vreg.gather [hbm4b:s3+s2], $0x80, v4, vm0, $0xb8;
	[tilespmem:$0x9080] =	vst v63  }
0xae: {  	_ = 	snop  }
0xaf: {  	[tilespmem:s16], [sflag:$0x1] =	stream.indirect_vreg.gather [hbm4b:s4+s2], $0x80, v4, vm1, $0xb8;
	[tilespmem:$0x9080] =	vst v63  }
0xb0: {  	_ = 	snop  }
0xb1: {  	[tilespmem:s17], [sflag:$0x1] =	stream.indirect_vreg.gather [hbm4b:s3+s2], $0x80, v3, vm0, $0xb8;
	[tilespmem:$0x9080] =	vst v63  }
0xb2: {  	_ = 	snop  }
0xb3: {  	[tilespmem:s18], [sflag:$0x1] =	stream.indirect_vreg.gather [hbm4b:s4+s2], $0x80, v3, vm1, $0xb8;
	[tilespmem:$0x9080] =	vst v63  }
0xb4: {  	v3 =	vld [tilespmem:$0x30];
	_ =	sdelay $0x4  }
0xb5: {  	v61 =	vshrl.u32 v3, $0x3  }
0xb6: {  	v4 =	vmul.u32 $0x18, v61  }
0xb7: {  	v3 =	vand.u32 $0x7, v3  }
0xb8: {  	v3 =	vor.u32 v3, v4  }
0xb9: {  	v4 =	vperm.xlane v3, v0;
	_ =	sdelay $0x1  }
0xba: {  	v4 =	vadd.s32 v1, v4;
	_ =	sdelay $0x1  }
0xbb: {  	v3 =	vperm.xlane v3, v2;
	_ =	sdelay $0x1  }
0xbc: {  	v3 =	vadd.s32 v1, v3  }
0xbd: {  	[tilespmem:s19], [sflag:$0x1] =	stream.indirect_vreg.gather [hbm4b:s3+s2], $0x80, v4, vm0, $0xb8;
	[tilespmem:$0x9080] =	vst v63  }
0xbe: {  	_ = 	snop  }
0xbf: {  	[tilespmem:s20], [sflag:$0x1] =	stream.indirect_vreg.gather [hbm4b:s4+s2], $0x80, v4, vm1, $0xb8;
	[tilespmem:$0x9080] =	vst v63  }
0xc0: {  	_ = 	snop  }
0xc1: {  	[tilespmem:s21], [sflag:$0x1] =	stream.indirect_vreg.gather [hbm4b:s3+s2], $0x80, v3, vm0, $0xb8;
	[tilespmem:$0x9080] =	vst v63  }
0xc2: {  	_ = 	snop  }
0xc3: {  	[tilespmem:s22], [sflag:$0x1] =	stream.indirect_vreg.gather [hbm4b:s4+s2], $0x80, v3, vm1, $0xb8;
	[tilespmem:$0x9080] =	vst v63  }
0xc4: {  	v3 =	vld [tilespmem:$0x40];
	_ =	sdelay $0x4  }
0xc5: {  	v62 =	vshrl.u32 v3, $0x3  }
0xc6: {  	v4 =	vmul.u32 $0x18, v62  }
0xc7: {  	v3 =	vand.u32 $0x7, v3  }
0xc8: {  	v3 =	vor.u32 v3, v4  }
0xc9: {  	v4 =	vperm.xlane v3, v0;
	_ =	sdelay $0x1  }
0xca: {  	v4 =	vadd.s32 v1, v4;
	_ =	sdelay $0x1  }
0xcb: {  	v3 =	vperm.xlane v3, v2;
	_ =	sdelay $0x1  }
0xcc: {  	v3 =	vadd.s32 v1, v3  }
0xcd: {  	[tilespmem:s23], [sflag:$0x1] =	stream.indirect_vreg.gather [hbm4b:s3+s2], $0x80, v4, vm0, $0xb8;
	[tilespmem:$0x9080] =	vst v63  }
0xce: {  	_ = 	snop  }
0xcf: {  	[tilespmem:s24], [sflag:$0x1] =	stream.indirect_vreg.gather [hbm4b:s4+s2], $0x80, v4, vm1, $0xb8;
	[tilespmem:$0x9080] =	vst v63  }
0xd0: {  	_ = 	snop  }
0xd1: {  	[tilespmem:s25], [sflag:$0x1] =	stream.indirect_vreg.gather [hbm4b:s3+s2], $0x80, v3, vm0, $0xb8;
	[tilespmem:$0x9080] =	vst v63  }
0xd2: {  	_ = 	snop  }
0xd3: {  	[tilespmem:s26], [sflag:$0x1] =	stream.indirect_vreg.gather [hbm4b:s4+s2], $0x80, v3, vm1, $0xb8;
	[tilespmem:$0x9080] =	vst v63  }
0xd4: {  	v3 =	vld [tilespmem:$0x50];
	_ =	sdelay $0x4  }
0xd5: {  	v63 =	vshrl.u32 v3, $0x3  }
0xd6: {  	v4 =	vmul.u32 $0x18, v63  }
0xd7: {  	v3 =	vand.u32 $0x7, v3  }
0xd8: {  	v3 =	vor.u32 v3, v4  }
0xd9: {  	v4 =	vperm.xlane v3, v0;
	_ =	sdelay $0x1  }
0xda: {  	v4 =	vadd.s32 v1, v4;
	_ =	sdelay $0x1  }
0xdb: {  	v3 =	vperm.xlane v3, v2;
	_ =	sdelay $0x1  }
0xdc: {  	v3 =	vadd.s32 v1, v3  }
0xdd: {  	[tilespmem:s28], [sflag:$0x1] =	stream.indirect_vreg.gather [hbm4b:s3+s2], $0x80, v4, vm0, $0xb8;
	[tilespmem:$0x9080] =	vst v63  }
0xde: {  	_ = 	snop  }
0xdf: {  	[tilespmem:s29], [sflag:$0x1] =	stream.indirect_vreg.gather [hbm4b:s4+s2], $0x80, v4, vm1, $0xb8;
	[tilespmem:$0x9080] =	vst v63  }
0xe0: {  	_ = 	snop  }
0xe1: {  	[tilespmem:s30], [sflag:$0x1] =	stream.indirect_vreg.gather [hbm4b:s3+s2], $0x80, v3, vm0, $0xb8;
	[tilespmem:$0x9080] =	vst v63  }
0xe2: {  	_ = 	snop  }
0xe3: {  	[tilespmem:s31], [sflag:$0x1] =	stream.indirect_vreg.gather [hbm4b:s4+s2], $0x80, v3, vm1, $0xb8;
	[tilespmem:$0x9080] =	vst v63  }
0xe4: {  	_ =	swait.ge [sflag:s1], $0x9000  }
0xe5: {  	p0 =	sne.s32 s5, $0x1;
	[sflag:s1] =	ssyncset.done $0x0  }
.Ltmp0:
0xe6: {  	s0 =	rddreg [dreg:$0x5];
	[sflag:s1] =	ssyncadd.s32 $0xFFFF7000;
	(pc) =	sbr.rel @p0 .LBB2_1-.Ltmp0, $4  }
0xe7: {  	[hbm4b:s0+s2] =	stream.linear.scatter [tilespmem:s7], [sflag:$0x2], $0x9000, $0x38;
	[tilespmem:$0x9080] =	vst v63  }
0xe8: {  	_ =	swait.ge [sflag:s6], $0x9000  }
0xe9: {  	[sflag:s6] =	ssyncset.done $0x0  }
0xea: {  	s5 =	sadd.s32 $0xFFFFFFFF, s5;
	[sflag:s6] =	ssyncadd.s32 $0xFFFF7000  }
0xeb: {  	_ =	sfence.sel $0x180000  }
0xec: {  	[bflag:$0x0] =	sbarrier.arrive $0xFFFF  }
0xed: {  	_ =	strace $0x90000047  }
0xee: {  	s0 =	stileid.u32;
	[bflag:$0x2] =	sbarrier.arrive $0xFFFF  }
0xef: {  	p0 =	sne.s32 s0, $0x0;
	s0 =	rddreg [dreg:$0x1]  }
0xf0: {  	s0 =	sadd.s32 @!p0 $0x100000, s0  }
0xf1: {  	[sflag:s0] =	ssyncadd.tile.s32 @!p0 $0x1;
	_ =	shalt  }
.Lfunc_end2:
_tile_overlayer_lowered:
.L_overlay_start_2:
0xf2: {  	(tag) =	ssettag $0x2  }
0xf3: {  	s0 =	rddreg [dreg:$0x0];
	s2 =	stileid.u32  }
0xf4: {  	s1 =	rddreg [dreg:$0x1];
	p0 =	sne.s32 s2, $0x0  }
0xf5: {  	s3 =	rddreg [dreg:$0x2];
	[bflag:$0x3] =	sbarrier.arrive $0xFFFF;
	s2 =	simm.s32 @!p0 $0x1C02  }
0xf6: {  	[timem:s3], [sflag:s2] =	dma.local @!p0 [hbm:s0], s1  }
0xf7: {  	s0 =	simm.s32 @!p0 $0x2  }
0xf8: {  	_ =	swait.ge @!p0 [sflag:s0], s1  }
0xf9: {  	s1 =	ssub.s32 @!p0 $0x0, s1;
	[sflag:s0] =	ssyncset.done @!p0 $0x0  }
0xfa: {  	[sflag:s0] =	ssyncadd.s32 @!p0 s1  }
0xfb: {  	[bflag:$0x3] =	sbarrier.arrive $0xFFFF  }
0xfc: {  	_ =	shalt  }

// kernel: kernel.13.cloned.1.call-start
scs
__scs_entry_jumppad:
0x0: {  	(pc) =	sbr.rel $0x88, $3  }
0x1: {  	(tag) =	ssettag $0x0;
	lr =	simm.s32 $0x1  }
0x2: {  	[smem:$0x3F8B] =	sst lr;
	_ =	strace $0xD0000000  }
0x3: {  	_ = 	snop  }
0x4: {  	_ = 	snop  }
0x5: {  	_ = 	snop  }
0x6: {  	_ = 	snop  }
0x7: {  	_ = 	snop  }
__scs_overlays_trampoline_lowered:
0x8: {  	[smem:$0x3F9A] =	sst s0  }
0x9: {  	[smem:$0x3F9B] =	sst s1  }
0xa: {  	[smem:$0x3F9C] =	sst s2  }
0xb: {  	[smem:$0x3F9D] =	sst s3  }
0xc: {  	[smem:$0x3F9E] =	sst s4  }
0xd: {  	[smem:$0x3F9F] =	sst s5  }
0xe: {  	[smem:$0x3FA0] =	sst s6  }
0xf: {  	[smem:$0x3FA1] =	sst s7  }
0x10: {  	[smem:$0x3FA2] =	sst s8  }
0x11: {  	[smem:$0x3FA3] =	sst s9;
	s0 =	simm.s32 @!p0 $0x0  }
0x12: {  	s1 =	sld [smem:$0x3F89];
	s0 =	simm.s32 @p0 $0x1  }
0x13: {  	[smem:$0x3FA4] =	sst s0;
	s0 =	simm.s32 @!p1 $0x0  }
0x14: {  	s2 =	sld [smem:$0x3F88];
	s0 =	simm.s32 @p1 $0x1  }
0x15: {  	[smem:$0x3FA5] =	sst s0;
	s0 =	simm.s32 @!p2 $0x0  }
0x16: {  	s3 =	sld [smem:$0x3FDB];
	s0 =	simm.s32 @p2 $0x1  }
0x17: {  	s4 =	simm.s32 $0x1BF5;
	[smem:$0x3FA7] =	sst s0  }
0x18: {  	s0 =	sld [smem:$0x3F8A];
	_ =	swait.ge [sflag:s4], $0x0  }
0x19: {  	s7 =	sld [smem:$0x3F8B]  }
0x1a: {  	s8 =	sadd.s32 $0xFFFFE003, lr  }
0x1b: {  	s9 =	sadd.s32 $0xFFFFFEF7, lr;
	s5 =	simm.s32 $0xFFFFFFFF;
	p2 =	slt.u32 s8, $0xFFFFF086  }
0x1c: {  	p1 =	slt.u32 s9, $0xF7A;
	s5 =	simm.s32 @!p2 $0x0  }
0x1d: {  	s5 =	simm.s32 @p1 $0x1;
	p0 =	seq.s32 s7, s2  }
0x1e: {  	s7 =	smul.u32 @!p0 $0xF7A, s2;
	p2 =	seq.s32 @!p0 s5, $0x0  }
0x1f: {  	s9 =	smul.u32 $0xF7A, s1;
	s8 =	simm.s32 @!p0 $0x1BF5;
	p2 =	por !p2, p0  }
0x20: {  	[sflag:s8] =	ssyncset.s32 @!p0 $0xFFFFF086;
	s6 =	sadd.s32 @!p0 s3, s7;
	s7 =	simm.s32 @!p0 $0x108  }
0x21: {  	s3 =	sadd.s32 s3, s9;
	s6 =	sadd.s32 @!p0 $0x88, s6;
	s7 =	simm.s32 @p2 $0x1082  }
0x22: {  	[simem:s7], [sflag:s8] =	dma.local @!p0 [hbm:s6], $0xF7A  }
0x23: {  	s9 =	sor.u32 $0xD0000000, s2;
	s6 =	simm.s32 $0x108;
	_ =	swait.ge @!p0 [sflag:s8], $0x0  }
0x24: {  	s3 =	sadd.s32 $0x88, s3;
	s6 =	simm.s32 @!p1 $0x1082;
	[sflag:s4] =	ssyncset.s32 $0xFFFFF086  }
0x25: {  	[simem:s6], [sflag:s4] =	dma.local [hbm:s3], $0xF7A  }
0x26: {  	[smem:$0x3F8B] =	sst s1;
	(tag) =	ssettag s2;
	_ =	strace s9  }
0x27: {  	s1 =	sld [smem:$0x3F9B]  }
0x28: {  	s2 =	sld [smem:$0x3F9C]  }
0x29: {  	s4 =	sld [smem:$0x3F9E]  }
0x2a: {  	p0 =	seq.s32 s5, $0x0;
	s5 =	sld [smem:$0x3F9F]  }
0x2b: {  	s6 =	sld [smem:$0x3FA0]  }
0x2c: {  	s7 =	sld [smem:$0x3FA1]  }
0x2d: {  	s3 =	simm.s32 $0x108;
	s8 =	sld [smem:$0x3FA2]  }
0x2e: {  	s3 =	simm.s32 @!p0 $0x1082;
	s9 =	sld [smem:$0x3FA3]  }
0x2f: {  	lr =	sadd.s32 s0, s3;
	s0 =	sld [smem:$0x3F9A]  }
0x30: {  	s3 =	sld [smem:$0x3F9D]  }
0x31: {  	[smem:$0x3FA6] =	sst s10  }
0x32: {  	s10 =	sld [smem:$0x3FA4];
	_ =	sdelay $0x3  }
0x33: {  	p0 =	seq.s32 s10, $0x1;
	s10 =	sld [smem:$0x3FA6];
	_ =	sdelay $0x3  }
0x34: {  	[smem:$0x3FA6] =	sst s10  }
0x35: {  	s10 =	sld [smem:$0x3FA5];
	_ =	sdelay $0x3  }
0x36: {  	p1 =	seq.s32 s10, $0x1;
	s10 =	sld [smem:$0x3FA6];
	_ =	sdelay $0x3  }
0x37: {  	[smem:$0x3FA6] =	sst s10  }
0x38: {  	s10 =	sld [smem:$0x3FA7]  }
0x39: {  	_ = 	snop;
	(pc) =	sbr.ind lr, $3  }
0x3a: {  	_ = 	snop  }
0x3b: {  	_ = 	snop  }
0x3c: {  	p2 =	seq.s32 s10, $0x1;
	s10 =	sld [smem:$0x3FA6]  }
0x3d: {  	_ =	shalt  }
0x3e: {  	_ =	shalt  }
0x3f: {  	_ =	shalt  }
0x40: {  	_ =	shalt  }
0x41: {  	_ =	shalt  }
0x42: {  	_ =	shalt  }
0x43: {  	_ =	shalt  }
0x44: {  	_ =	shalt  }
0x45: {  	_ =	shalt  }
0x46: {  	_ =	shalt  }
0x47: {  	_ =	shalt  }
0x48: {  	_ =	shalt  }
0x49: {  	_ =	shalt  }
0x4a: {  	_ =	shalt  }
0x4b: {  	_ =	shalt  }
0x4c: {  	_ =	shalt  }
0x4d: {  	_ =	shalt  }
0x4e: {  	_ =	shalt  }
0x4f: {  	_ =	shalt  }
0x50: {  	_ =	shalt  }
0x51: {  	_ =	shalt  }
0x52: {  	_ =	shalt  }
0x53: {  	_ =	shalt  }
0x54: {  	_ =	shalt  }
0x55: {  	_ =	shalt  }
0x56: {  	_ =	shalt  }
0x57: {  	_ =	shalt  }
0x58: {  	_ =	shalt  }
0x59: {  	_ =	shalt  }
0x5a: {  	_ =	shalt  }
0x5b: {  	_ =	shalt  }
0x5c: {  	_ =	shalt  }
0x5d: {  	_ =	shalt  }
0x5e: {  	_ =	shalt  }
0x5f: {  	_ =	shalt  }
0x60: {  	_ =	shalt  }
0x61: {  	_ =	shalt  }
0x62: {  	_ =	shalt  }
0x63: {  	_ =	shalt  }
0x64: {  	_ =	shalt  }
0x65: {  	_ =	shalt  }
0x66: {  	_ =	shalt  }
0x67: {  	_ =	shalt  }
0x68: {  	_ =	shalt  }
0x69: {  	_ =	shalt  }
0x6a: {  	_ =	shalt  }
0x6b: {  	_ =	shalt  }
0x6c: {  	_ =	shalt  }
0x6d: {  	_ =	shalt  }
0x6e: {  	_ =	shalt  }
0x6f: {  	_ =	shalt  }
0x70: {  	_ =	shalt  }
0x71: {  	_ =	shalt  }
0x72: {  	_ =	shalt  }
0x73: {  	_ =	shalt  }
0x74: {  	_ =	shalt  }
0x75: {  	_ =	shalt  }
0x76: {  	_ =	shalt  }
0x77: {  	_ =	shalt  }
0x78: {  	_ =	shalt  }
0x79: {  	_ =	shalt  }
0x7a: {  	_ =	shalt  }
0x7b: {  	_ =	shalt  }
0x7c: {  	_ =	shalt  }
0x7d: {  	_ =	shalt  }
0x7e: {  	_ =	shalt  }
0x7f: {  	_ =	shalt  }
0x80: {  	_ =	shalt  }
0x81: {  	_ =	shalt  }
0x82: {  	_ =	shalt  }
0x83: {  	_ =	shalt  }
0x84: {  	_ =	shalt  }
0x85: {  	_ =	shalt  }
0x86: {  	_ =	shalt  }
0x87: {  	_ =	shalt  }
.Lfunc_end0:
.L_simem_size_0:
called_computation.1_lowered:
.L_overlay_start_0:
0x88: {  	s2 =	sld [smem:$0x3FD9]  }
0x89: {  	s3 =	sld [smem:$0x3FFE];
	_ =	sdelay $0x1  }
0x8a: {  	s1 =	srdreg.scid  }
0x8b: {  	s0 =	sand.u32 $0x1, s1  }
0x8c: {  	s16 =	sshll.u32 s0, $0xA;
	s2 =	sadd.s32 s3, s2  }
0x8d: {  	s2 =	sadd.s32 s2, s16  }
0x8e: {  	[smem:$0x3FB2] =	sst s2  }
0x8f: {  	_ = 	snop  }
0x90: {  	(tm) =	ssettm $0x1  }
0x91: {  	s17 =	sld [smem:$0x3FFB];
	_ =	sdelay $0x3  }
0x92: {  	_ =	strace s17  }
0x93: {  	s2 =	sld [smem:$0x3FFC];
	_ =	sdelay $0x3  }
0x94: {  	_ =	strace s2  }
0x95: {  	s2 =	sld [smem:$0x3FFD];
	_ =	sdelay $0x3  }
0x96: {  	_ =	strace s2  }
0x97: {  	_ =	strace $0x8FFFFFFF  }
0x98: {  	s18 =	sld [smem:$0x3FDB];
	_ =	sdelay $0x1  }
0x99: {  	s19 =	simm.s32 $_scs_section_size  }
0x9a: {  	s4 =	simm.s32 $_size__tile_overlayer_lowered;
	s5 =	simm.s32 $_tile_overlayer_lowered  }
0x9b: {  	s22 =	simm.s32 $0x1BFF;
	s21 =	sshll.u32 s5, $0x1;
	s2 =	sadd.s32 s19, s18  }
0x9c: {  	s6 =	simm.s32 $0x0;
	s20 =	sshll.u32 s4, $0x1;
	s4 =	sadd.s32 s21, s2  }
0x9d: {  	[timem:s6], [sflag:s22] =	dma.local [hbm:s4], s20  }
0x9e: {  	_ =	swait.ge [sflag:s22], s20  }
0x9f: {  	s3 =	ssub.s32 $0x0, s20;
	[sflag:s22] =	ssyncset.done $0x0  }
0xa0: {  	[sflag:s22] =	ssyncadd.s32 s3;
	_ =	sdelay $0x1  }
0xa1: {  	s23 =	simm.s32 $0x1B8B  }
0xa2: {  	_ =	swait.ge [sflag:s23], $0x1  }
0xa3: {  	[sflag:s23] =	ssyncset.done $0x0  }
0xa4: {  	s25 =	simm.s32 $0x1B8E;
	s24 =	sld [smem:$0x3FFE];
	[sflag:s23] =	ssyncadd.s32 $0xFFFFFFFF  }
0xa5: {  	s26 =	simm.s32 $execute0_lowered;
	[smem:$0x3FD2] =	sst s25  }
0xa6: {  	s4 =	sshll.u32 s26, $0x1;
	_ =	strace $0x80000049;
	[dreg:$0x1] =	wrdreg $0xFFFFFFFF  }
0xa7: {  	s28 =	simm.s32 $_size_execute0_lowered;
	s2 =	sadd.s32 s2, s4;
	[dreg:$0x0] =	wrdreg $0x0  }
0xa8: {  	s4 =	sshll.u32 s28, $0x1;
	[dreg:$0x2] =	wrdreg s2  }
0xa9: {  	[dreg:$0x3] =	wrdreg s4  }
0xaa: {  	[dreg:$0x4] =	wrdreg $0xC0  }
0xab: {  	_ =	task [dreg:s6], $0x5FFFF  }
0xac: {  	[dreg:$0x1] =	wrdreg $0xFFFFFFFF  }
0xad: {  	[dreg:$0x0] =	wrdreg $0x60  }
0xae: {  	[dreg:$0x2] =	wrdreg s24  }
0xaf: {  	[dreg:$0x3] =	wrdreg $0x9  }
0xb0: {  	_ =	task.clear_ibuf [dreg:s6], $0x4FFFF;
	_ =	strace $0x90000049  }
0xb1: {  	s29 =	simm.s32 $0x9;
	_ =	strace $0x8000004B  }
0xb2: {  	_ =	swait.ge [sflag:s29], $0x1  }
0xb3: {  	[sflag:s29] =	ssyncadd.s32 $0xFFFFFFFF  }
0xb4: {  	_ =	strace $0x9000004B  }
0xb5: {  	_ =	sfence  }
0xb6: {  	s30 =	sld [smem:$0x0];
	_ =	sdelay $0x2  }
0xb7: {  	s31 =	sshll.u32 s1, $0xD;
	s1 =	sshrl.u32 s1, $0x2  }
0xb8: {  	s3 =	sand.u32 $0x4000, s31;
	s1 =	sadd.s32 s1, s30  }
0xb9: {  	s0 =	sor.u32 s3, s0;
	s1 =	sshll.u32 s1, $0x11  }
0xba: {  	s0 =	sor.u32 s1, s0  }
0xbb: {  	s0 =	sadd.s32 $0x8F2B, s0  }
0xbc: {  	[sflag:s0] =	ssyncadd.remote.s32 $0x1  }
0xbd: {  	_ =	sfence.sel $0xFFFF  }
0xbe: {  	[dreg:$0x0] =	wrdreg $0xFFFFFFFF;
	(pc) =	sbr.abs _section_cstart, $3  }
0xbf: {  	[dreg:$0x1] =	wrdreg $0xFFFFFFFF  }
0xc0: {  	_ =	task.clear_ibuf [dreg:s6], $0x2FFFF;
	_ =	strace $0x9FFFFFFF  }
0xc1: {  	(tm) =	ssettm $0x7FFFFFFF  }
tec
execute0_lowered:
.L_overlay_start_1:
0x0: {  	(tag) =	ssettag $0x1  }
0x1: {  	s1 =	srdreg.scid  }
0x2: {  	s0 =	stileid.u32;
	s4 =	rddreg [dreg:$0x0];
	s19 =	simm.s32 $0x880  }
0x3: {  	s20 =	simm.s32 $0xC80;
	s21 =	simm.s32 $0x1480;
	s22 =	simm.s32 $0x1880  }
0x4: {  	s23 =	simm.s32 $0x2080;
	s24 =	simm.s32 $0x2480;
	s25 =	simm.s32 $0x2C80  }
0x5: {  	s26 =	simm.s32 $0x3080;
	s7 =	simm.s32 $0x80;
	s9 =	simm.s32 $0x3C80  }
0x6: {  	s10 =	simm.s32 $0x4480;
	s11 =	simm.s32 $0x4880;
	s1 =	sand.u32 $0x1, s1  }
0x7: {  	s12 =	simm.s32 $0x5080;
	s2 =	sshll.u32 s0, $0x5;
	s3 =	sshll.u32 s1, $0x4  }
0x8: {  	s13 =	simm.s32 $0x5480;
	s3 =	sor.u32 s3, s2;
	s2 =	simm.s32 $0x0  }
0x9: {  	s14 =	simm.s32 $0x5C80;
	s15 =	simm.s32 $0x6080;
	[smem:$0x7FF] =	sst s2  }
0xa: {  	s16 =	simm.s32 $0x6880;
	_ =	strace $0x8000004A;
	[dreg:$0x4] =	wrdreg s19  }
0xb: {  	s17 =	simm.s32 $0x6C80;
	s28 =	simm.s32 $0xA880;
	[dreg:$0x5] =	wrdreg s20  }
0xc: {  	s29 =	simm.s32 $0xB080;
	s30 =	simm.s32 $0xB480;
	[dreg:$0x6] =	wrdreg s21  }
0xd: {  	s31 =	simm.s32 $0xBC80;
	s1 =	ssub.s32 $0x2, s1;
	[dreg:$0x7] =	wrdreg s22  }
0xe: {  	s6 =	sshrl.u32 s1, $0x1;
	s5 =	smul.u32 $0x180, s3;
	[dreg:$0x8] =	wrdreg s23  }
0xf: {  	s3 =	sadd.s32 s3, s4;
	s1 =	ssub.s32 s1, s6;
	[dreg:$0x9] =	wrdreg s24  }
0x10: {  	s6 =	simm.s32 $0x2;
	s3 =	sadd.s32 $0x193000, s3;
	[dreg:$0xa] =	wrdreg s25  }
0x11: {  	[dreg:$0xb] =	wrdreg s26;
	s19 =	simm.s32 $0x7880;
	s20 =	simm.s32 $0x8080  }
0x12: {  	s21 =	simm.s32 $0x8480;
	s22 =	simm.s32 $0x8C80;
	s23 =	simm.s32 $0x9080  }
0x13: {  	s24 =	simm.s32 $0x9880;
	s25 =	simm.s32 $0x9C80;
	s26 =	simm.s32 $0xA480  }
0x14: {  	v2 =	vlaneseq.u32;
	s5 =	sadd.s32 s5, s4;
	[dreg:$0x2] =	wrdreg s3;
	s3 =	sadd.s32 $0x5AC00, s4  }
0x15: {  	vm0 =	vmmov $0xffff;
	vm1 =	vmmov $0xff;
	v1 =	vshrl.u32 v2, $0x3;
	s4 =	sadd.s32 $0x5AD00, s4;
	s18 =	sadd.s32 $0xA2C00, s5;
	s5 =	smax.u32 s1, $0x1  }
0x16: {  	v0 =	vand.u32 $0x7, v2;
	v2 =	vor.u32 $0x8, v2;
	v1 =	vmul.u32 $0x8, v1;
	s1 =	simm.s32 $0x1;
	[dreg:$0x3] =	wrdreg s18;
	s18 =	simm.s32 $0x7480  }
.LBB2_1:
0x17: {  	s0 =	rddreg [dreg:$0x2]  }
0x18: {  	[tilespmem:s2], [sflag:$0x2] =	stream.linear.gather [hbm4b:s0+s2], $0x80, $0x38;
	[tilespmem:$0xC080] =	vst v63  }
0x19: {  	_ =	swait.ge [sflag:s6], $0x80  }
0x1a: {  	[sflag:s6] =	ssyncset.done $0x0  }
0x1b: {  	[sflag:s6] =	ssyncadd.s32 $0xFFFFFF80  }
0x1c: {  	v3 =	vld [tilespmem:$0x0];
	_ =	sdelay $0x4  }
0x1d: {  	v4 =	vshrl.u32 v3, $0x3  }
0x1e: {  	v4 =	vmul.u32 $0x18, v4  }
0x1f: {  	v3 =	vand.u32 $0x7, v3  }
0x20: {  	v3 =	vor.u32 v3, v4  }
0x21: {  	v4 =	vperm.xlane v3, v0;
	_ =	sdelay $0x1  }
0x22: {  	v4 =	vadd.s32 v1, v4;
	_ =	sdelay $0x1  }
0x23: {  	v3 =	vperm.xlane v3, v2;
	_ =	sdelay $0x1  }
0x24: {  	v3 =	vadd.s32 v1, v3  }
0x25: {  	[tilespmem:s7], [sflag:$0x1] =	stream.indirect_vreg.gather [hbm4b:s3+s2], $0x80, v4, vm0, $0xb8;
	[tilespmem:$0xC080] =	vst v63  }
0x26: {  	s0 =	rddreg [dreg:$0x4]  }
0x27: {  	[tilespmem:s0], [sflag:$0x1] =	stream.indirect_vreg.gather [hbm4b:s4+s2], $0x80, v4, vm1, $0xb8;
	[tilespmem:$0xC080] =	vst v63  }
0x28: {  	s8 =	rddreg [dreg:$0x5]  }
0x29: {  	[tilespmem:s8], [sflag:$0x1] =	stream.indirect_vreg.gather [hbm4b:s3+s2], $0x80, v3, vm0, $0xb8;
	[tilespmem:$0xC080] =	vst v63  }
0x2a: {  	s0 =	rddreg [dreg:$0x6]  }
0x2b: {  	[tilespmem:s0], [sflag:$0x1] =	stream.indirect_vreg.gather [hbm4b:s4+s2], $0x80, v3, vm1, $0xb8;
	[tilespmem:$0xC080] =	vst v63  }
0x2c: {  	v3 =	vld [tilespmem:$0x10];
	_ =	sdelay $0x4  }
0x2d: {  	v57 =	vshrl.u32 v3, $0x3  }
0x2e: {  	v4 =	vmul.u32 $0x18, v57  }
0x2f: {  	v3 =	vand.u32 $0x7, v3  }
0x30: {  	v3 =	vor.u32 v3, v4  }
0x31: {  	v4 =	vperm.xlane v3, v0;
	_ =	sdelay $0x1  }
0x32: {  	v4 =	vadd.s32 v1, v4;
	_ =	sdelay $0x1  }
0x33: {  	v3 =	vperm.xlane v3, v2;
	_ =	sdelay $0x1  }
0x34: {  	s0 =	rddreg [dreg:$0x7];
	v3 =	vadd.s32 v1, v3  }
0x35: {  	[tilespmem:s0], [sflag:$0x1] =	stream.indirect_vreg.gather [hbm4b:s3+s2], $0x80, v4, vm0, $0xb8;
	[tilespmem:$0xC080] =	vst v63  }
0x36: {  	s8 =	rddreg [dreg:$0x8]  }
0x37: {  	[tilespmem:s8], [sflag:$0x1] =	stream.indirect_vreg.gather [hbm4b:s4+s2], $0x80, v4, vm1, $0xb8;
	[tilespmem:$0xC080] =	vst v63  }
0x38: {  	s0 =	rddreg [dreg:$0x9]  }
0x39: {  	[tilespmem:s0], [sflag:$0x1] =	stream.indirect_vreg.gather [hbm4b:s3+s2], $0x80, v3, vm0, $0xb8;
	[tilespmem:$0xC080] =	vst v63  }
0x3a: {  	s8 =	rddreg [dreg:$0xa]  }
0x3b: {  	[tilespmem:s8], [sflag:$0x1] =	stream.indirect_vreg.gather [hbm4b:s4+s2], $0x80, v3, vm1, $0xb8;
	[tilespmem:$0xC080] =	vst v63  }
0x3c: {  	v3 =	vld [tilespmem:$0x20];
	_ =	sdelay $0x4  }
0x3d: {  	v58 =	vshrl.u32 v3, $0x3  }
0x3e: {  	v4 =	vmul.u32 $0x18, v58  }
0x3f: {  	v3 =	vand.u32 $0x7, v3  }
0x40: {  	v3 =	vor.u32 v3, v4  }
0x41: {  	v4 =	vperm.xlane v3, v0;
	_ =	sdelay $0x1  }
0x42: {  	v4 =	vadd.s32 v1, v4;
	_ =	sdelay $0x1  }
0x43: {  	v3 =	vperm.xlane v3, v2;
	_ =	sdelay $0x1  }
0x44: {  	s8 =	rddreg [dreg:$0xb];
	v3 =	vadd.s32 v1, v3  }
0x45: {  	[tilespmem:s8], [sflag:$0x1] =	stream.indirect_vreg.gather [hbm4b:s3+s2], $0x80, v4, vm0, $0xb8;
	[tilespmem:$0xC080] =	vst v63  }
0x46: {  	s8 =	simm.s32 $0x3880  }
0x47: {  	[tilespmem:s8], [sflag:$0x1] =	stream.indirect_vreg.gather [hbm4b:s4+s2], $0x80, v4, vm1, $0xb8;
	[tilespmem:$0xC080] =	vst v63  }
0x48: {  	_ = 	snop  }
0x49: {  	[tilespmem:s9], [sflag:$0x1] =	stream.indirect_vreg.gather [hbm4b:s3+s2], $0x80, v3, vm0, $0xb8;
	[tilespmem:$0xC080] =	vst v63  }
0x4a: {  	_ = 	snop  }
0x4b: {  	[tilespmem:s10], [sflag:$0x1] =	stream.indirect_vreg.gather [hbm4b:s4+s2], $0x80, v3, vm1, $0xb8;
	[tilespmem:$0xC080] =	vst v63  }
0x4c: {  	v3 =	vld [tilespmem:$0x30];
	_ =	sdelay $0x4  }
0x4d: {  	v59 =	vshrl.u32 v3, $0x3  }
0x4e: {  	v4 =	vmul.u32 $0x18, v59  }
0x4f: {  	v3 =	vand.u32 $0x7, v3  }
0x50: {  	v3 =	vor.u32 v3, v4  }
0x51: {  	v4 =	vperm.xlane v3, v0;
	_ =	sdelay $0x1  }
0x52: {  	v4 =	vadd.s32 v1, v4;
	_ =	sdelay $0x1  }
0x53: {  	v3 =	vperm.xlane v3, v2;
	_ =	sdelay $0x1  }
0x54: {  	v3 =	vadd.s32 v1, v3  }
0x55: {  	[tilespmem:s11], [sflag:$0x1] =	stream.indirect_vreg.gather [hbm4b:s3+s2], $0x80, v4, vm0, $0xb8;
	[tilespmem:$0xC080] =	vst v63  }
0x56: {  	_ = 	snop  }
0x57: {  	[tilespmem:s12], [sflag:$0x1] =	stream.indirect_vreg.gather [hbm4b:s4+s2], $0x80, v4, vm1, $0xb8;
	[tilespmem:$0xC080] =	vst v63  }
0x58: {  	_ = 	snop  }
0x59: {  	[tilespmem:s13], [sflag:$0x1] =	stream.indirect_vreg.gather [hbm4b:s3+s2], $0x80, v3, vm0, $0xb8;
	[tilespmem:$0xC080] =	vst v63  }
0x5a: {  	_ = 	snop  }
0x5b: {  	[tilespmem:s14], [sflag:$0x1] =	stream.indirect_vreg.gather [hbm4b:s4+s2], $0x80, v3, vm1, $0xb8;
	[tilespmem:$0xC080] =	vst v63  }
0x5c: {  	v3 =	vld [tilespmem:$0x40];
	_ =	sdelay $0x4  }
0x5d: {  	v60 =	vshrl.u32 v3, $0x3  }
0x5e: {  	v4 =	vmul.u32 $0x18, v60  }
0x5f: {  	v3 =	vand.u32 $0x7, v3  }
0x60: {  	v3 =	vor.u32 v3, v4  }
0x61: {  	v4 =	vperm.xlane v3, v0;
	_ =	sdelay $0x1  }
0x62: {  	v4 =	vadd.s32 v1, v4;
	_ =	sdelay $0x1  }
0x63: {  	v3 =	vperm.xlane v3, v2;
	_ =	sdelay $0x1  }
0x64: {  	v3 =	vadd.s32 v1, v3  }
0x65: {  	[tilespmem:s15], [sflag:$0x1] =	stream.indirect_vreg.gather [hbm4b:s3+s2], $0x80, v4, vm0, $0xb8;
	[tilespmem:$0xC080] =	vst v63  }
0x66: {  	_ = 	snop  }
0x67: {  	[tilespmem:s16], [sflag:$0x1] =	stream.indirect_vreg.gather [hbm4b:s4+s2], $0x80, v4, vm1, $0xb8;
	[tilespmem:$0xC080] =	vst v63  }
0x68: {  	_ = 	snop  }
0x69: {  	[tilespmem:s17], [sflag:$0x1] =	stream.indirect_vreg.gather [hbm4b:s3+s2], $0x80, v3, vm0, $0xb8;
	[tilespmem:$0xC080] =	vst v63  }
0x6a: {  	_ = 	snop  }
0x6b: {  	[tilespmem:s18], [sflag:$0x1] =	stream.indirect_vreg.gather [hbm4b:s4+s2], $0x80, v3, vm1, $0xb8;
	[tilespmem:$0xC080] =	vst v63  }
0x6c: {  	v3 =	vld [tilespmem:$0x50];
	_ =	sdelay $0x4  }
0x6d: {  	v61 =	vshrl.u32 v3, $0x3  }
0x6e: {  	v4 =	vmul.u32 $0x18, v61  }
0x6f: {  	v3 =	vand.u32 $0x7, v3  }
0x70: {  	v3 =	vor.u32 v3, v4  }
0x71: {  	v4 =	vperm.xlane v3, v0;
	_ =	sdelay $0x1  }
0x72: {  	v4 =	vadd.s32 v1, v4;
	_ =	sdelay $0x1  }
0x73: {  	v3 =	vperm.xlane v3, v2;
	_ =	sdelay $0x1  }
0x74: {  	v3 =	vadd.s32 v1, v3  }
0x75: {  	[tilespmem:s19], [sflag:$0x1] =	stream.indirect_vreg.gather [hbm4b:s3+s2], $0x80, v4, vm0, $0xb8;
	[tilespmem:$0xC080] =	vst v63  }
0x76: {  	_ = 	snop  }
0x77: {  	[tilespmem:s20], [sflag:$0x1] =	stream.indirect_vreg.gather [hbm4b:s4+s2], $0x80, v4, vm1, $0xb8;
	[tilespmem:$0xC080] =	vst v63  }
0x78: {  	_ = 	snop  }
0x79: {  	[tilespmem:s21], [sflag:$0x1] =	stream.indirect_vreg.gather [hbm4b:s3+s2], $0x80, v3, vm0, $0xb8;
	[tilespmem:$0xC080] =	vst v63  }
0x7a: {  	_ = 	snop  }
0x7b: {  	[tilespmem:s22], [sflag:$0x1] =	stream.indirect_vreg.gather [hbm4b:s4+s2], $0x80, v3, vm1, $0xb8;
	[tilespmem:$0xC080] =	vst v63  }
0x7c: {  	v3 =	vld [tilespmem:$0x60];
	_ =	sdelay $0x4  }
0x7d: {  	v62 =	vshrl.u32 v3, $0x3  }
0x7e: {  	v4 =	vmul.u32 $0x18, v62  }
0x7f: {  	v3 =	vand.u32 $0x7, v3  }
0x80: {  	v3 =	vor.u32 v3, v4  }
0x81: {  	v4 =	vperm.xlane v3, v0;
	_ =	sdelay $0x1  }
0x82: {  	v4 =	vadd.s32 v1, v4;
	_ =	sdelay $0x1  }
0x83: {  	v3 =	vperm.xlane v3, v2;
	_ =	sdelay $0x1  }
0x84: {  	v3 =	vadd.s32 v1, v3  }
0x85: {  	[tilespmem:s23], [sflag:$0x1] =	stream.indirect_vreg.gather [hbm4b:s3+s2], $0x80, v4, vm0, $0xb8;
	[tilespmem:$0xC080] =	vst v63  }
0x86: {  	_ = 	snop  }
0x87: {  	[tilespmem:s24], [sflag:$0x1] =	stream.indirect_vreg.gather [hbm4b:s4+s2], $0x80, v4, vm1, $0xb8;
	[tilespmem:$0xC080] =	vst v63  }
0x88: {  	_ = 	snop  }
0x89: {  	[tilespmem:s25], [sflag:$0x1] =	stream.indirect_vreg.gather [hbm4b:s3+s2], $0x80, v3, vm0, $0xb8;
	[tilespmem:$0xC080] =	vst v63  }
0x8a: {  	_ = 	snop  }
0x8b: {  	[tilespmem:s26], [sflag:$0x1] =	stream.indirect_vreg.gather [hbm4b:s4+s2], $0x80, v3, vm1, $0xb8;
	[tilespmem:$0xC080] =	vst v63  }
0x8c: {  	v3 =	vld [tilespmem:$0x70];
	_ =	sdelay $0x4  }
0x8d: {  	v63 =	vshrl.u32 v3, $0x3  }
0x8e: {  	v4 =	vmul.u32 $0x18, v63  }
0x8f: {  	v3 =	vand.u32 $0x7, v3  }
0x90: {  	v3 =	vor.u32 v3, v4  }
0x91: {  	v4 =	vperm.xlane v3, v0;
	_ =	sdelay $0x1  }
0x92: {  	v4 =	vadd.s32 v1, v4;
	_ =	sdelay $0x1  }
0x93: {  	v3 =	vperm.xlane v3, v2;
	_ =	sdelay $0x1  }
0x94: {  	v3 =	vadd.s32 v1, v3  }
0x95: {  	[tilespmem:s28], [sflag:$0x1] =	stream.indirect_vreg.gather [hbm4b:s3+s2], $0x80, v4, vm0, $0xb8;
	[tilespmem:$0xC080] =	vst v63  }
0x96: {  	_ = 	snop  }
0x97: {  	[tilespmem:s29], [sflag:$0x1] =	stream.indirect_vreg.gather [hbm4b:s4+s2], $0x80, v4, vm1, $0xb8;
	[tilespmem:$0xC080] =	vst v63  }
0x98: {  	_ = 	snop  }
0x99: {  	[tilespmem:s30], [sflag:$0x1] =	stream.indirect_vreg.gather [hbm4b:s3+s2], $0x80, v3, vm0, $0xb8;
	[tilespmem:$0xC080] =	vst v63  }
0x9a: {  	_ = 	snop  }
0x9b: {  	[tilespmem:s31], [sflag:$0x1] =	stream.indirect_vreg.gather [hbm4b:s4+s2], $0x80, v3, vm1, $0xb8;
	[tilespmem:$0xC080] =	vst v63  }
0x9c: {  	_ =	swait.ge [sflag:s1], $0xC000  }
0x9d: {  	p0 =	sne.s32 s5, $0x1;
	[sflag:s1] =	ssyncset.done $0x0  }
.Ltmp0:
0x9e: {  	s8 =	rddreg [dreg:$0x3];
	[sflag:s1] =	ssyncadd.s32 $0xFFFF4000;
	(pc) =	sbr.rel @p0 .LBB2_1-.Ltmp0, $4  }
0x9f: {  	[hbm4b:s8+s2] =	stream.linear.scatter [tilespmem:s7], [sflag:$0x2], $0xC000, $0x38;
	[tilespmem:$0xC080] =	vst v63  }
0xa0: {  	_ =	swait.ge [sflag:s6], $0xC000  }
0xa1: {  	[sflag:s6] =	ssyncset.done $0x0  }
0xa2: {  	s5 =	sadd.s32 $0xFFFFFFFF, s5;
	[sflag:s6] =	ssyncadd.s32 $0xFFFF4000  }
0xa3: {  	_ =	sfence.sel $0x180000  }
0xa4: {  	[bflag:$0x0] =	sbarrier.arrive $0xFFFF  }
0xa5: {  	_ =	strace $0x9000004A  }
0xa6: {  	s0 =	stileid.u32;
	[bflag:$0x2] =	sbarrier.arrive $0xFFFF  }
0xa7: {  	p0 =	sne.s32 s0, $0x0;
	s0 =	rddreg [dreg:$0x1]  }
0xa8: {  	s0 =	sadd.s32 @!p0 $0x100000, s0  }
0xa9: {  	[sflag:s0] =	ssyncadd.tile.s32 @!p0 $0x1;
	_ =	shalt  }
.Lfunc_end2:
_tile_overlayer_lowered:
.L_overlay_start_2:
0xaa: {  	(tag) =	ssettag $0x2  }
0xab: {  	s0 =	rddreg [dreg:$0x0];
	s2 =	stileid.u32  }
0xac: {  	s1 =	rddreg [dreg:$0x1];
	p0 =	sne.s32 s2, $0x0  }
0xad: {  	s3 =	rddreg [dreg:$0x2];
	[bflag:$0x3] =	sbarrier.arrive $0xFFFF;
	s2 =	simm.s32 @!p0 $0x1C02  }
0xae: {  	[timem:s3], [sflag:s2] =	dma.local @!p0 [hbm:s0], s1  }
0xaf: {  	s0 =	simm.s32 @!p0 $0x2  }
0xb0: {  	_ =	swait.ge @!p0 [sflag:s0], s1  }
0xb1: {  	s1 =	ssub.s32 @!p0 $0x0, s1;
	[sflag:s0] =	ssyncset.done @!p0 $0x0  }
0xb2: {  	[sflag:s0] =	ssyncadd.s32 @!p0 s1  }
0xb3: {  	[bflag:$0x3] =	sbarrier.arrive $0xFFFF  }
0xb4: {  	_ =	shalt  }

</sc_bundles>
